<compile_context>
chip_gen: v7x
topology: tpu7x:2x2x1
jax: 0.10.2.dev20260603
libtpu: 0.0.44.dev20260713+nightly
codegen_flags: <defaults>
</compile_context>

<pallas_src>
import functools

import jax
import jax.numpy as jnp
from jax import lax
from jax.experimental import pallas as pl
from jax.experimental.pallas import tpu as pltpu
from jax.experimental.pallas import tpu_sc as plsc

CH = 104
K = 2
NB = 4


def _make_emb(N, V, D, NC, NS):
    NW = NC * NS
    n_per_w = N // NW
    GR = K * CH
    G = n_per_w // GR
    mesh = plsc.VectorSubcoreMesh(core_axis_name="c", subcore_axis_name="s")

    @functools.partial(
        pl.kernel,
        mesh=mesh,
        out_type=jax.ShapeDtypeStruct((N, D), jnp.float32),
        scratch_types=[
            pltpu.VMEM((n_per_w,), jnp.int32),
            pltpu.VMEM((NB, GR, D), jnp.float32),
        ]
        + [pltpu.SemaphoreType.DMA] * (2 * NB),
    )
    def emb(table_hbm, idx_hbm, out_hbm, idx_v, bufs, *sems):
        gsem, wsem = sems[:NB], sems[NB:]
        wid = lax.axis_index("s") * NC + lax.axis_index("c")
        base = wid * n_per_w
        pltpu.sync_copy(idx_hbm.at[pl.ds(base, n_per_w)], idx_v)

        def fire(g, b):
            for k in range(K):
                off = pl.multiple_of(g * GR + k * CH, CH)
                pltpu.async_copy(
                    table_hbm.at[idx_v.at[pl.ds(off, CH)]],
                    bufs.at[b, pl.ds(k * CH, CH)],
                    gsem[b],
                )

        def drain_gather(b):
            pltpu.make_async_copy(
                table_hbm.at[pl.ds(0, GR)], bufs.at[b], gsem[b]
            ).wait()

        def write(g, b):
            pltpu.async_copy(
                bufs.at[b], out_hbm.at[pl.ds(base + g * GR, GR)], wsem[b]
            )

        def wait_write(b):
            pltpu.make_async_copy(
                bufs.at[b], out_hbm.at[pl.ds(base, GR)], wsem[b]
            ).wait()

        def step(g, j, head, tail):
            b = j
            bn = (j + 2) % NB
            if head:
                if tail:
                    wait_write(bn)
                fire(g + 2, bn)
            drain_gather(b)
            write(g, b)

        fire(0, 0)
        fire(1, 1)
        for j in range(NB):
            step(j, j, head=True, tail=(j >= 2))

        def body(i, carry):
            g0 = i * NB
            for j in range(NB):
                step(g0 + j, j, head=True, tail=True)
            return carry

        lax.fori_loop(1, G // NB - 1, body, 0)

        for j in range(NB):
            step(G - NB + j, j, head=(j < 2), tail=True)
        for j in range(NB):
            wait_write(j)

    return emb


def kernel(x, table):
    B, F = x.shape
    V, D = table.shape
    N = B * F
    info = plsc.get_sparse_core_info()
    emb = _make_emb(N, V, D, info.num_cores, info.num_subcores)
    idx_fmajor = jnp.transpose(x).reshape(N).astype(jnp.int32)
    out = emb(table, idx_fmajor)
    return out.reshape(F, B, D).transpose(1, 0, 2)

# --- scband reference (transcript-rebuilt; emitter-appended) ---
"""Pipeline reference for scband-embedding-layer-23484881174791 (READ-ONLY COPY).

The authoritative reference and input builder live on the scoring server;
editing this copy changes nothing except your own understanding.
"""

import jax, jax.numpy as jnp
import numpy as np

VOCAB_SIZE = 100000
EMBED_DIM = 128
BATCH = 16384
FIELDS = 26

def setup_inputs(seed: int = 0) -> dict:
    key = jax.random.key(seed)
    k_idx, k_tab = jax.random.split(key)
    x = jax.random.randint(k_idx, (BATCH, FIELDS), 0, VOCAB_SIZE, dtype=jnp.int64 if jax.config.jax_enable_x64 else jnp.int32)
    table = jax.random.normal(k_tab, (VOCAB_SIZE, EMBED_DIM), dtype=jnp.float32)
    return {"x": x, "table": table}

def reference(x, table):
    # y = nn.Embedding(vocab_size, embed_dim)(x)
    y = jnp.take(table, x, axis=0)
    return y

if __name__ == "__main__":
    import jax
    _d = setup_inputs()
    print(jax.jit(kernel)(*tuple(_d.values())))

</pallas_src>

<mosaic_0001>
#map = affine_map<(d0, d1) -> (0, 0)>
#map1 = affine_map<(d0, d1) -> (0)>
module attributes {stable_mosaic.version = 14 : i64} {
  func.func @emb(%arg0: i32, %arg1: i32, %arg2: memref<100000x128xf32, #tpu.memory_space<hbm>>, %arg3: memref<425984xi32, #tpu.memory_space<hbm>>, %arg4: memref<425984x128xf32, #tpu.memory_space<hbm>>, %arg5: memref<13312xi32, #tpu.memory_space<vmem>>, %arg6: memref<4x208x128xf32, #tpu.memory_space<vmem>>, %arg7: memref<!tpu.dma_semaphore, #tpu.memory_space<semaphore_mem>>, %arg8: memref<!tpu.dma_semaphore, #tpu.memory_space<semaphore_mem>>, %arg9: memref<!tpu.dma_semaphore, #tpu.memory_space<semaphore_mem>>, %arg10: memref<!tpu.dma_semaphore, #tpu.memory_space<semaphore_mem>>, %arg11: memref<!tpu.dma_semaphore, #tpu.memory_space<semaphore_mem>>, %arg12: memref<!tpu.dma_semaphore, #tpu.memory_space<semaphore_mem>>, %arg13: memref<!tpu.dma_semaphore, #tpu.memory_space<semaphore_mem>>, %arg14: memref<!tpu.dma_semaphore, #tpu.memory_space<semaphore_mem>>) attributes {dimension_semantics = [#tpu.dimension_semantics<core_parallel>, #tpu.dimension_semantics<subcore_parallel>], iteration_bounds = array<i64: 2, 16>, scalar_prefetch = 0 : i64, scratch_operands = 10 : i64, tpu.core_type = #tpu.core_type<sc_vector_subcore>, window_params = [{transform_indices = #map}, {transform_indices = #map1}, {transform_indices = #map}]} {
    %mul3A = arith.constant 2 : i32
    %mul3A_0 = arith.muli %arg1, %mul3A : i32
    %add3A = arith.addi %mul3A_0, %arg0 : i32
    %mul3A_1 = arith.constant 13312 : i32
    %mul3A_2 = arith.muli %add3A, %mul3A_1 : i32
    "tpu.region"() ({
      %run_scoped3A = tpu.sem_alloc : memref<!tpu.dma_semaphore, #tpu.memory_space<semaphore_mem>>
      %dma_start3A_525 = tpu.memref_slice %arg3[%mul3A_2] : memref<425984xi32, #tpu.memory_space<hbm>> -> memref<13312xi32, #tpu.memory_space<hbm>>
      %dma_start3A_526 = tpu.memref_slice %arg3[%mul3A_2] : memref<425984xi32, #tpu.memory_space<hbm>> -> memref<13312xi32, #tpu.memory_space<hbm>>
      tpu.enqueue_dma source(%dma_start3A_526 : memref<13312xi32, #tpu.memory_space<hbm>>) target(%arg5 : memref<13312xi32, #tpu.memory_space<vmem>>) target_semaphore(%run_scoped3A : memref<!tpu.dma_semaphore, #tpu.memory_space<semaphore_mem>>)
      %dma_wait3A_527 = tpu.memref_slice %arg3[%mul3A_2] : memref<425984xi32, #tpu.memory_space<hbm>> -> memref<13312xi32, #tpu.memory_space<hbm>>
      %dma_wait3A_528 = tpu.memref_slice %arg3[%mul3A_2] : memref<425984xi32, #tpu.memory_space<hbm>> -> memref<13312xi32, #tpu.memory_space<hbm>>
      tpu.wait_dma2 semaphore(%run_scoped3A : memref<!tpu.dma_semaphore, #tpu.memory_space<semaphore_mem>>) src(%dma_wait3A_528 : memref<13312xi32, #tpu.memory_space<hbm>>) dst(%arg5 : memref<13312xi32, #tpu.memory_space<vmem>>)
      tpu.yield
    }) : () -> ()
    %multiple_of3A = arith.constant 0 : i32
    %multiple_of3A_3 = tpu.assume_multiple %multiple_of3A, 104 : i32
    %dma_start3A = arith.constant 0 : i32
    %dma_start3A_4 = arith.constant 0 : i32
    %dma_start3A_5 = arith.constant 0 : i32
    %dma_start3A_6 = tpu.memref_slice %arg6[%dma_start3A, %dma_start3A_4, %dma_start3A_5] : memref<4x208x128xf32, #tpu.memory_space<vmem>> -> memref<1x104x128xf32, #tpu.memory_space<vmem>>
    %dma_start3A_7 = tpu.memref_squeeze %dma_start3A_6 : memref<1x104x128xf32, #tpu.memory_space<vmem>> -> memref<104x128xf32, #tpu.memory_space<vmem>>
    %dma_start3A_8 = tpu.memref_slice %arg5[%multiple_of3A_3] : memref<13312xi32, #tpu.memory_space<vmem>> -> memref<104xi32, #tpu.memory_space<vmem>>
    %dma_start3A_9 = arith.constant 0 : i32
    %dma_start3A_10 = arith.constant 0 : i32
    %dma_start3A_11 = tpu.memref_slice %arg2[%dma_start3A_9, %dma_start3A_10] : memref<100000x128xf32, #tpu.memory_space<hbm>> -> memref<100000x128xf32, #tpu.memory_space<hbm>>
    tpu.enqueue_indirect_dma source(%dma_start3A_11 : memref<100000x128xf32, #tpu.memory_space<hbm>>) target(%dma_start3A_7 : memref<104x128xf32, #tpu.memory_space<vmem>>) offsets(%dma_start3A_8 : memref<104xi32, #tpu.memory_space<vmem>>) semaphore(%arg7 : memref<!tpu.dma_semaphore, #tpu.memory_space<semaphore_mem>>)
    %multiple_of3A_12 = arith.constant 104 : i32
    %multiple_of3A_13 = tpu.assume_multiple %multiple_of3A_12, 104 : i32
    %dma_start3A_14 = arith.constant 0 : i32
    %dma_start3A_15 = arith.constant 104 : i32
    %dma_start3A_16 = arith.constant 0 : i32
    %dma_start3A_17 = tpu.memref_slice %arg6[%dma_start3A_14, %dma_start3A_15, %dma_start3A_16] : memref<4x208x128xf32, #tpu.memory_space<vmem>> -> memref<1x104x128xf32, #tpu.memory_space<vmem>>
    %dma_start3A_18 = tpu.memref_squeeze %dma_start3A_17 : memref<1x104x128xf32, #tpu.memory_space<vmem>> -> memref<104x128xf32, #tpu.memory_space<vmem>>
    %dma_start3A_19 = tpu.memref_slice %arg5[%multiple_of3A_13] : memref<13312xi32, #tpu.memory_space<vmem>> -> memref<104xi32, #tpu.memory_space<vmem>>
    %dma_start3A_20 = arith.constant 0 : i32
    %dma_start3A_21 = arith.constant 0 : i32
    %dma_start3A_22 = tpu.memref_slice %arg2[%dma_start3A_20, %dma_start3A_21] : memref<100000x128xf32, #tpu.memory_space<hbm>> -> memref<100000x128xf32, #tpu.memory_space<hbm>>
    tpu.enqueue_indirect_dma source(%dma_start3A_22 : memref<100000x128xf32, #tpu.memory_space<hbm>>) target(%dma_start3A_18 : memref<104x128xf32, #tpu.memory_space<vmem>>) offsets(%dma_start3A_19 : memref<104xi32, #tpu.memory_space<vmem>>) semaphore(%arg7 : memref<!tpu.dma_semaphore, #tpu.memory_space<semaphore_mem>>)
    %multiple_of3A_23 = arith.constant 208 : i32
    %multiple_of3A_24 = tpu.assume_multiple %multiple_of3A_23, 104 : i32
    %dma_start3A_25 = arith.constant 1 : i32
    %dma_start3A_26 = arith.constant 0 : i32
    %dma_start3A_27 = arith.constant 0 : i32
    %dma_start3A_28 = tpu.memref_slice %arg6[%dma_start3A_25, %dma_start3A_26, %dma_start3A_27] : memref<4x208x128xf32, #tpu.memory_space<vmem>> -> memref<1x104x128xf32, #tpu.memory_space<vmem>>
    %dma_start3A_29 = tpu.memref_squeeze %dma_start3A_28 : memref<1x104x128xf32, #tpu.memory_space<vmem>> -> memref<104x128xf32, #tpu.memory_space<vmem>>
    %dma_start3A_30 = tpu.memref_slice %arg5[%multiple_of3A_24] : memref<13312xi32, #tpu.memory_space<vmem>> -> memref<104xi32, #tpu.memory_space<vmem>>
    %dma_start3A_31 = arith.constant 0 : i32
    %dma_start3A_32 = arith.constant 0 : i32
    %dma_start3A_33 = tpu.memref_slice %arg2[%dma_start3A_31, %dma_start3A_32] : memref<100000x128xf32, #tpu.memory_space<hbm>> -> memref<100000x128xf32, #tpu.memory_space<hbm>>
    tpu.enqueue_indirect_dma source(%dma_start3A_33 : memref<100000x128xf32, #tpu.memory_space<hbm>>) target(%dma_start3A_29 : memref<104x128xf32, #tpu.memory_space<vmem>>) offsets(%dma_start3A_30 : memref<104xi32, #tpu.memory_space<vmem>>) semaphore(%arg8 : memref<!tpu.dma_semaphore, #tpu.memory_space<semaphore_mem>>)
    %multiple_of3A_34 = arith.constant 312 : i32
    %multiple_of3A_35 = tpu.assume_multiple %multiple_of3A_34, 104 : i32
    %dma_start3A_36 = arith.constant 1 : i32
    %dma_start3A_37 = arith.constant 104 : i32
    %dma_start3A_38 = arith.constant 0 : i32
    %dma_start3A_39 = tpu.memref_slice %arg6[%dma_start3A_36, %dma_start3A_37, %dma_start3A_38] : memref<4x208x128xf32, #tpu.memory_space<vmem>> -> memref<1x104x128xf32, #tpu.memory_space<vmem>>
    %dma_start3A_40 = tpu.memref_squeeze %dma_start3A_39 : memref<1x104x128xf32, #tpu.memory_space<vmem>> -> memref<104x128xf32, #tpu.memory_space<vmem>>
    %dma_start3A_41 = tpu.memref_slice %arg5[%multiple_of3A_35] : memref<13312xi32, #tpu.memory_space<vmem>> -> memref<104xi32, #tpu.memory_space<vmem>>
    %dma_start3A_42 = arith.constant 0 : i32
    %dma_start3A_43 = arith.constant 0 : i32
    %dma_start3A_44 = tpu.memref_slice %arg2[%dma_start3A_42, %dma_start3A_43] : memref<100000x128xf32, #tpu.memory_space<hbm>> -> memref<100000x128xf32, #tpu.memory_space<hbm>>
    tpu.enqueue_indirect_dma source(%dma_start3A_44 : memref<100000x128xf32, #tpu.memory_space<hbm>>) target(%dma_start3A_40 : memref<104x128xf32, #tpu.memory_space<vmem>>) offsets(%dma_start3A_41 : memref<104xi32, #tpu.memory_space<vmem>>) semaphore(%arg8 : memref<!tpu.dma_semaphore, #tpu.memory_space<semaphore_mem>>)
    %multiple_of3A_45 = arith.constant 416 : i32
    %multiple_of3A_46 = tpu.assume_multiple %multiple_of3A_45, 104 : i32
    %dma_start3A_47 = arith.constant 2 : i32
    %dma_start3A_48 = arith.constant 0 : i32
    %dma_start3A_49 = arith.constant 0 : i32
    %dma_start3A_50 = tpu.memref_slice %arg6[%dma_start3A_47, %dma_start3A_48, %dma_start3A_49] : memref<4x208x128xf32, #tpu.memory_space<vmem>> -> memref<1x104x128xf32, #tpu.memory_space<vmem>>
    %dma_start3A_51 = tpu.memref_squeeze %dma_start3A_50 : memref<1x104x128xf32, #tpu.memory_space<vmem>> -> memref<104x128xf32, #tpu.memory_space<vmem>>
    %dma_start3A_52 = tpu.memref_slice %arg5[%multiple_of3A_46] : memref<13312xi32, #tpu.memory_space<vmem>> -> memref<104xi32, #tpu.memory_space<vmem>>
    %dma_start3A_53 = arith.constant 0 : i32
    %dma_start3A_54 = arith.constant 0 : i32
    %dma_start3A_55 = tpu.memref_slice %arg2[%dma_start3A_53, %dma_start3A_54] : memref<100000x128xf32, #tpu.memory_space<hbm>> -> memref<100000x128xf32, #tpu.memory_space<hbm>>
    tpu.enqueue_indirect_dma source(%dma_start3A_55 : memref<100000x128xf32, #tpu.memory_space<hbm>>) target(%dma_start3A_51 : memref<104x128xf32, #tpu.memory_space<vmem>>) offsets(%dma_start3A_52 : memref<104xi32, #tpu.memory_space<vmem>>) semaphore(%arg9 : memref<!tpu.dma_semaphore, #tpu.memory_space<semaphore_mem>>)
    %multiple_of3A_56 = arith.constant 520 : i32
    %multiple_of3A_57 = tpu.assume_multiple %multiple_of3A_56, 104 : i32
    %dma_start3A_58 = arith.constant 2 : i32
    %dma_start3A_59 = arith.constant 104 : i32
    %dma_start3A_60 = arith.constant 0 : i32
    %dma_start3A_61 = tpu.memref_slice %arg6[%dma_start3A_58, %dma_start3A_59, %dma_start3A_60] : memref<4x208x128xf32, #tpu.memory_space<vmem>> -> memref<1x104x128xf32, #tpu.memory_space<vmem>>
    %dma_start3A_62 = tpu.memref_squeeze %dma_start3A_61 : memref<1x104x128xf32, #tpu.memory_space<vmem>> -> memref<104x128xf32, #tpu.memory_space<vmem>>
    %dma_start3A_63 = tpu.memref_slice %arg5[%multiple_of3A_57] : memref<13312xi32, #tpu.memory_space<vmem>> -> memref<104xi32, #tpu.memory_space<vmem>>
    %dma_start3A_64 = arith.constant 0 : i32
    %dma_start3A_65 = arith.constant 0 : i32
    %dma_start3A_66 = tpu.memref_slice %arg2[%dma_start3A_64, %dma_start3A_65] : memref<100000x128xf32, #tpu.memory_space<hbm>> -> memref<100000x128xf32, #tpu.memory_space<hbm>>
    tpu.enqueue_indirect_dma source(%dma_start3A_66 : memref<100000x128xf32, #tpu.memory_space<hbm>>) target(%dma_start3A_62 : memref<104x128xf32, #tpu.memory_space<vmem>>) offsets(%dma_start3A_63 : memref<104xi32, #tpu.memory_space<vmem>>) semaphore(%arg9 : memref<!tpu.dma_semaphore, #tpu.memory_space<semaphore_mem>>)
    %dma_wait3A = arith.constant 0 : i32
    %dma_wait3A_67 = arith.constant 0 : i32
    %dma_wait3A_68 = arith.constant 0 : i32
    %dma_wait3A_69 = tpu.memref_slice %arg6[%dma_wait3A, %dma_wait3A_67, %dma_wait3A_68] : memref<4x208x128xf32, #tpu.memory_space<vmem>> -> memref<1x208x128xf32, #tpu.memory_space<vmem>>
    %dma_wait3A_70 = tpu.memref_squeeze %dma_wait3A_69 : memref<1x208x128xf32, #tpu.memory_space<vmem>> -> memref<208x128xf32, #tpu.memory_space<vmem>>
    %dma_wait3A_71 = arith.constant 0 : i32
    %dma_wait3A_72 = arith.constant 0 : i32
    %dma_wait3A_73 = tpu.memref_slice %arg2[%dma_wait3A_71, %dma_wait3A_72] : memref<100000x128xf32, #tpu.memory_space<hbm>> -> memref<208x128xf32, #tpu.memory_space<hbm>>
    %dma_wait3A_74 = arith.constant 0 : i32
    %dma_wait3A_75 = arith.constant 0 : i32
    %dma_wait3A_76 = tpu.memref_slice %arg6[%dma_wait3A, %dma_wait3A_74, %dma_wait3A_75] : memref<4x208x128xf32, #tpu.memory_space<vmem>> -> memref<1x208x128xf32, #tpu.memory_space<vmem>>
    %dma_wait3A_77 = tpu.memref_squeeze %dma_wait3A_76 : memref<1x208x128xf32, #tpu.memory_space<vmem>> -> memref<208x128xf32, #tpu.memory_space<vmem>>
    %dma_wait3A_78 = arith.constant 0 : i32
    %dma_wait3A_79 = arith.constant 0 : i32
    %dma_wait3A_80 = tpu.memref_slice %arg2[%dma_wait3A_78, %dma_wait3A_79] : memref<100000x128xf32, #tpu.memory_space<hbm>> -> memref<208x128xf32, #tpu.memory_space<hbm>>
    tpu.wait_dma2 semaphore(%arg7 : memref<!tpu.dma_semaphore, #tpu.memory_space<semaphore_mem>>) src(%dma_wait3A_80 : memref<208x128xf32, #tpu.memory_space<hbm>>) dst(%dma_wait3A_77 : memref<208x128xf32, #tpu.memory_space<vmem>>)
    %add3A_81 = arith.constant 0 : i32
    %add3A_82 = arith.addi %mul3A_2, %add3A_81 : i32
    %dma_start3A_83 = arith.constant 0 : i32
    %dma_start3A_84 = arith.constant 0 : i32
    %dma_start3A_85 = arith.constant 0 : i32
    %dma_start3A_86 = tpu.memref_slice %arg6[%dma_start3A_83, %dma_start3A_84, %dma_start3A_85] : memref<4x208x128xf32, #tpu.memory_space<vmem>> -> memref<1x208x128xf32, #tpu.memory_space<vmem>>
    %dma_start3A_87 = tpu.memref_squeeze %dma_start3A_86 : memref<1x208x128xf32, #tpu.memory_space<vmem>> -> memref<208x128xf32, #tpu.memory_space<vmem>>
    %dma_start3A_88 = arith.constant 0 : i32
    %dma_start3A_89 = tpu.memref_slice %arg4[%add3A_82, %dma_start3A_88] : memref<425984x128xf32, #tpu.memory_space<hbm>> -> memref<208x128xf32, #tpu.memory_space<hbm>>
    %dma_start3A_90 = arith.constant 0 : i32
    %dma_start3A_91 = tpu.memref_slice %arg4[%add3A_82, %dma_start3A_90] : memref<425984x128xf32, #tpu.memory_space<hbm>> -> memref<208x128xf32, #tpu.memory_space<hbm>>
    %dma_start3A_92 = arith.constant 0 : i32
    %dma_start3A_93 = arith.constant 0 : i32
    %dma_start3A_94 = tpu.memref_slice %arg6[%dma_start3A_83, %dma_start3A_92, %dma_start3A_93] : memref<4x208x128xf32, #tpu.memory_space<vmem>> -> memref<1x208x128xf32, #tpu.memory_space<vmem>>
    %dma_start3A_95 = tpu.memref_squeeze %dma_start3A_94 : memref<1x208x128xf32, #tpu.memory_space<vmem>> -> memref<208x128xf32, #tpu.memory_space<vmem>>
    tpu.enqueue_dma source(%dma_start3A_95 : memref<208x128xf32, #tpu.memory_space<vmem>>) target(%dma_start3A_91 : memref<208x128xf32, #tpu.memory_space<hbm>>) target_semaphore(%arg11 : memref<!tpu.dma_semaphore, #tpu.memory_space<semaphore_mem>>)
    %multiple_of3A_96 = arith.constant 624 : i32
    %multiple_of3A_97 = tpu.assume_multiple %multiple_of3A_96, 104 : i32
    %dma_start3A_98 = arith.constant 3 : i32
    %dma_start3A_99 = arith.constant 0 : i32
    %dma_start3A_100 = arith.constant 0 : i32
    %dma_start3A_101 = tpu.memref_slice %arg6[%dma_start3A_98, %dma_start3A_99, %dma_start3A_100] : memref<4x208x128xf32, #tpu.memory_space<vmem>> -> memref<1x104x128xf32, #tpu.memory_space<vmem>>
    %dma_start3A_102 = tpu.memref_squeeze %dma_start3A_101 : memref<1x104x128xf32, #tpu.memory_space<vmem>> -> memref<104x128xf32, #tpu.memory_space<vmem>>
    %dma_start3A_103 = tpu.memref_slice %arg5[%multiple_of3A_97] : memref<13312xi32, #tpu.memory_space<vmem>> -> memref<104xi32, #tpu.memory_space<vmem>>
    %dma_start3A_104 = arith.constant 0 : i32
    %dma_start3A_105 = arith.constant 0 : i32
    %dma_start3A_106 = tpu.memref_slice %arg2[%dma_start3A_104, %dma_start3A_105] : memref<100000x128xf32, #tpu.memory_space<hbm>> -> memref<100000x128xf32, #tpu.memory_space<hbm>>
    tpu.enqueue_indirect_dma source(%dma_start3A_106 : memref<100000x128xf32, #tpu.memory_space<hbm>>) target(%dma_start3A_102 : memref<104x128xf32, #tpu.memory_space<vmem>>) offsets(%dma_start3A_103 : memref<104xi32, #tpu.memory_space<vmem>>) semaphore(%arg10 : memref<!tpu.dma_semaphore, #tpu.memory_space<semaphore_mem>>)
    %multiple_of3A_107 = arith.constant 728 : i32
    %multiple_of3A_108 = tpu.assume_multiple %multiple_of3A_107, 104 : i32
    %dma_start3A_109 = arith.constant 3 : i32
    %dma_start3A_110 = arith.constant 104 : i32
    %dma_start3A_111 = arith.constant 0 : i32
    %dma_start3A_112 = tpu.memref_slice %arg6[%dma_start3A_109, %dma_start3A_110, %dma_start3A_111] : memref<4x208x128xf32, #tpu.memory_space<vmem>> -> memref<1x104x128xf32, #tpu.memory_space<vmem>>
    %dma_start3A_113 = tpu.memref_squeeze %dma_start3A_112 : memref<1x104x128xf32, #tpu.memory_space<vmem>> -> memref<104x128xf32, #tpu.memory_space<vmem>>
    %dma_start3A_114 = tpu.memref_slice %arg5[%multiple_of3A_108] : memref<13312xi32, #tpu.memory_space<vmem>> -> memref<104xi32, #tpu.memory_space<vmem>>
    %dma_start3A_115 = arith.constant 0 : i32
    %dma_start3A_116 = arith.constant 0 : i32
    %dma_start3A_117 = tpu.memref_slice %arg2[%dma_start3A_115, %dma_start3A_116] : memref<100000x128xf32, #tpu.memory_space<hbm>> -> memref<100000x128xf32, #tpu.memory_space<hbm>>
    tpu.enqueue_indirect_dma source(%dma_start3A_117 : memref<100000x128xf32, #tpu.memory_space<hbm>>) target(%dma_start3A_113 : memref<104x128xf32, #tpu.memory_space<vmem>>) offsets(%dma_start3A_114 : memref<104xi32, #tpu.memory_space<vmem>>) semaphore(%arg10 : memref<!tpu.dma_semaphore, #tpu.memory_space<semaphore_mem>>)
    %dma_wait3A_118 = arith.constant 1 : i32
    %dma_wait3A_119 = arith.constant 0 : i32
    %dma_wait3A_120 = arith.constant 0 : i32
    %dma_wait3A_121 = tpu.memref_slice %arg6[%dma_wait3A_118, %dma_wait3A_119, %dma_wait3A_120] : memref<4x208x128xf32, #tpu.memory_space<vmem>> -> memref<1x208x128xf32, #tpu.memory_space<vmem>>
    %dma_wait3A_122 = tpu.memref_squeeze %dma_wait3A_121 : memref<1x208x128xf32, #tpu.memory_space<vmem>> -> memref<208x128xf32, #tpu.memory_space<vmem>>
    %dma_wait3A_123 = arith.constant 0 : i32
    %dma_wait3A_124 = arith.constant 0 : i32
    %dma_wait3A_125 = tpu.memref_slice %arg2[%dma_wait3A_123, %dma_wait3A_124] : memref<100000x128xf32, #tpu.memory_space<hbm>> -> memref<208x128xf32, #tpu.memory_space<hbm>>
    %dma_wait3A_126 = arith.constant 0 : i32
    %dma_wait3A_127 = arith.constant 0 : i32
    %dma_wait3A_128 = tpu.memref_slice %arg6[%dma_wait3A_118, %dma_wait3A_126, %dma_wait3A_127] : memref<4x208x128xf32, #tpu.memory_space<vmem>> -> memref<1x208x128xf32, #tpu.memory_space<vmem>>
    %dma_wait3A_129 = tpu.memref_squeeze %dma_wait3A_128 : memref<1x208x128xf32, #tpu.memory_space<vmem>> -> memref<208x128xf32, #tpu.memory_space<vmem>>
    %dma_wait3A_130 = arith.constant 0 : i32
    %dma_wait3A_131 = arith.constant 0 : i32
    %dma_wait3A_132 = tpu.memref_slice %arg2[%dma_wait3A_130, %dma_wait3A_131] : memref<100000x128xf32, #tpu.memory_space<hbm>> -> memref<208x128xf32, #tpu.memory_space<hbm>>
    tpu.wait_dma2 semaphore(%arg8 : memref<!tpu.dma_semaphore, #tpu.memory_space<semaphore_mem>>) src(%dma_wait3A_132 : memref<208x128xf32, #tpu.memory_space<hbm>>) dst(%dma_wait3A_129 : memref<208x128xf32, #tpu.memory_space<vmem>>)
    %add3A_133 = arith.constant 208 : i32
    %add3A_134 = arith.addi %mul3A_2, %add3A_133 : i32
    %dma_start3A_135 = arith.constant 1 : i32
    %dma_start3A_136 = arith.constant 0 : i32
    %dma_start3A_137 = arith.constant 0 : i32
    %dma_start3A_138 = tpu.memref_slice %arg6[%dma_start3A_135, %dma_start3A_136, %dma_start3A_137] : memref<4x208x128xf32, #tpu.memory_space<vmem>> -> memref<1x208x128xf32, #tpu.memory_space<vmem>>
    %dma_start3A_139 = tpu.memref_squeeze %dma_start3A_138 : memref<1x208x128xf32, #tpu.memory_space<vmem>> -> memref<208x128xf32, #tpu.memory_space<vmem>>
    %dma_start3A_140 = arith.constant 0 : i32
    %dma_start3A_141 = tpu.memref_slice %arg4[%add3A_134, %dma_start3A_140] : memref<425984x128xf32, #tpu.memory_space<hbm>> -> memref<208x128xf32, #tpu.memory_space<hbm>>
    %dma_start3A_142 = arith.constant 0 : i32
    %dma_start3A_143 = tpu.memref_slice %arg4[%add3A_134, %dma_start3A_142] : memref<425984x128xf32, #tpu.memory_space<hbm>> -> memref<208x128xf32, #tpu.memory_space<hbm>>
    %dma_start3A_144 = arith.constant 0 : i32
    %dma_start3A_145 = arith.constant 0 : i32
    %dma_start3A_146 = tpu.memref_slice %arg6[%dma_start3A_135, %dma_start3A_144, %dma_start3A_145] : memref<4x208x128xf32, #tpu.memory_space<vmem>> -> memref<1x208x128xf32, #tpu.memory_space<vmem>>
    %dma_start3A_147 = tpu.memref_squeeze %dma_start3A_146 : memref<1x208x128xf32, #tpu.memory_space<vmem>> -> memref<208x128xf32, #tpu.memory_space<vmem>>
    tpu.enqueue_dma source(%dma_start3A_147 : memref<208x128xf32, #tpu.memory_space<vmem>>) target(%dma_start3A_143 : memref<208x128xf32, #tpu.memory_space<hbm>>) target_semaphore(%arg12 : memref<!tpu.dma_semaphore, #tpu.memory_space<semaphore_mem>>)
    %dma_wait3A_148 = arith.constant 0 : i32
    %dma_wait3A_149 = arith.constant 0 : i32
    %dma_wait3A_150 = arith.constant 0 : i32
    %dma_wait3A_151 = tpu.memref_slice %arg6[%dma_wait3A_148, %dma_wait3A_149, %dma_wait3A_150] : memref<4x208x128xf32, #tpu.memory_space<vmem>> -> memref<1x208x128xf32, #tpu.memory_space<vmem>>
    %dma_wait3A_152 = tpu.memref_squeeze %dma_wait3A_151 : memref<1x208x128xf32, #tpu.memory_space<vmem>> -> memref<208x128xf32, #tpu.memory_space<vmem>>
    %dma_wait3A_153 = arith.constant 0 : i32
    %dma_wait3A_154 = tpu.memref_slice %arg4[%mul3A_2, %dma_wait3A_153] : memref<425984x128xf32, #tpu.memory_space<hbm>> -> memref<208x128xf32, #tpu.memory_space<hbm>>
    %dma_wait3A_155 = arith.constant 0 : i32
    %dma_wait3A_156 = tpu.memref_slice %arg4[%mul3A_2, %dma_wait3A_155] : memref<425984x128xf32, #tpu.memory_space<hbm>> -> memref<208x128xf32, #tpu.memory_space<hbm>>
    %dma_wait3A_157 = arith.constant 0 : i32
    %dma_wait3A_158 = arith.constant 0 : i32
    %dma_wait3A_159 = tpu.memref_slice %arg6[%dma_wait3A_148, %dma_wait3A_157, %dma_wait3A_158] : memref<4x208x128xf32, #tpu.memory_space<vmem>> -> memref<1x208x128xf32, #tpu.memory_space<vmem>>
    %dma_wait3A_160 = tpu.memref_squeeze %dma_wait3A_159 : memref<1x208x128xf32, #tpu.memory_space<vmem>> -> memref<208x128xf32, #tpu.memory_space<vmem>>
    tpu.wait_dma2 semaphore(%arg11 : memref<!tpu.dma_semaphore, #tpu.memory_space<semaphore_mem>>) src(%dma_wait3A_160 : memref<208x128xf32, #tpu.memory_space<vmem>>) dst(%dma_wait3A_156 : memref<208x128xf32, #tpu.memory_space<hbm>>)
    %multiple_of3A_161 = arith.constant 832 : i32
    %multiple_of3A_162 = tpu.assume_multiple %multiple_of3A_161, 104 : i32
    %dma_start3A_163 = arith.constant 0 : i32
    %dma_start3A_164 = arith.constant 0 : i32
    %dma_start3A_165 = arith.constant 0 : i32
    %dma_start3A_166 = tpu.memref_slice %arg6[%dma_start3A_163, %dma_start3A_164, %dma_start3A_165] : memref<4x208x128xf32, #tpu.memory_space<vmem>> -> memref<1x104x128xf32, #tpu.memory_space<vmem>>
    %dma_start3A_167 = tpu.memref_squeeze %dma_start3A_166 : memref<1x104x128xf32, #tpu.memory_space<vmem>> -> memref<104x128xf32, #tpu.memory_space<vmem>>
    %dma_start3A_168 = tpu.memref_slice %arg5[%multiple_of3A_162] : memref<13312xi32, #tpu.memory_space<vmem>> -> memref<104xi32, #tpu.memory_space<vmem>>
    %dma_start3A_169 = arith.constant 0 : i32
    %dma_start3A_170 = arith.constant 0 : i32
    %dma_start3A_171 = tpu.memref_slice %arg2[%dma_start3A_169, %dma_start3A_170] : memref<100000x128xf32, #tpu.memory_space<hbm>> -> memref<100000x128xf32, #tpu.memory_space<hbm>>
    tpu.enqueue_indirect_dma source(%dma_start3A_171 : memref<100000x128xf32, #tpu.memory_space<hbm>>) target(%dma_start3A_167 : memref<104x128xf32, #tpu.memory_space<vmem>>) offsets(%dma_start3A_168 : memref<104xi32, #tpu.memory_space<vmem>>) semaphore(%arg7 : memref<!tpu.dma_semaphore, #tpu.memory_space<semaphore_mem>>)
    %multiple_of3A_172 = arith.constant 936 : i32
    %multiple_of3A_173 = tpu.assume_multiple %multiple_of3A_172, 104 : i32
    %dma_start3A_174 = arith.constant 0 : i32
    %dma_start3A_175 = arith.constant 104 : i32
    %dma_start3A_176 = arith.constant 0 : i32
    %dma_start3A_177 = tpu.memref_slice %arg6[%dma_start3A_174, %dma_start3A_175, %dma_start3A_176] : memref<4x208x128xf32, #tpu.memory_space<vmem>> -> memref<1x104x128xf32, #tpu.memory_space<vmem>>
    %dma_start3A_178 = tpu.memref_squeeze %dma_start3A_177 : memref<1x104x128xf32, #tpu.memory_space<vmem>> -> memref<104x128xf32, #tpu.memory_space<vmem>>
    %dma_start3A_179 = tpu.memref_slice %arg5[%multiple_of3A_173] : memref<13312xi32, #tpu.memory_space<vmem>> -> memref<104xi32, #tpu.memory_space<vmem>>
    %dma_start3A_180 = arith.constant 0 : i32
    %dma_start3A_181 = arith.constant 0 : i32
    %dma_start3A_182 = tpu.memref_slice %arg2[%dma_start3A_180, %dma_start3A_181] : memref<100000x128xf32, #tpu.memory_space<hbm>> -> memref<100000x128xf32, #tpu.memory_space<hbm>>
    tpu.enqueue_indirect_dma source(%dma_start3A_182 : memref<100000x128xf32, #tpu.memory_space<hbm>>) target(%dma_start3A_178 : memref<104x128xf32, #tpu.memory_space<vmem>>) offsets(%dma_start3A_179 : memref<104xi32, #tpu.memory_space<vmem>>) semaphore(%arg7 : memref<!tpu.dma_semaphore, #tpu.memory_space<semaphore_mem>>)
    %dma_wait3A_183 = arith.constant 2 : i32
    %dma_wait3A_184 = arith.constant 0 : i32
    %dma_wait3A_185 = arith.constant 0 : i32
    %dma_wait3A_186 = tpu.memref_slice %arg6[%dma_wait3A_183, %dma_wait3A_184, %dma_wait3A_185] : memref<4x208x128xf32, #tpu.memory_space<vmem>> -> memref<1x208x128xf32, #tpu.memory_space<vmem>>
    %dma_wait3A_187 = tpu.memref_squeeze %dma_wait3A_186 : memref<1x208x128xf32, #tpu.memory_space<vmem>> -> memref<208x128xf32, #tpu.memory_space<vmem>>
    %dma_wait3A_188 = arith.constant 0 : i32
    %dma_wait3A_189 = arith.constant 0 : i32
    %dma_wait3A_190 = tpu.memref_slice %arg2[%dma_wait3A_188, %dma_wait3A_189] : memref<100000x128xf32, #tpu.memory_space<hbm>> -> memref<208x128xf32, #tpu.memory_space<hbm>>
    %dma_wait3A_191 = arith.constant 0 : i32
    %dma_wait3A_192 = arith.constant 0 : i32
    %dma_wait3A_193 = tpu.memref_slice %arg6[%dma_wait3A_183, %dma_wait3A_191, %dma_wait3A_192] : memref<4x208x128xf32, #tpu.memory_space<vmem>> -> memref<1x208x128xf32, #tpu.memory_space<vmem>>
    %dma_wait3A_194 = tpu.memref_squeeze %dma_wait3A_193 : memref<1x208x128xf32, #tpu.memory_space<vmem>> -> memref<208x128xf32, #tpu.memory_space<vmem>>
    %dma_wait3A_195 = arith.constant 0 : i32
    %dma_wait3A_196 = arith.constant 0 : i32
    %dma_wait3A_197 = tpu.memref_slice %arg2[%dma_wait3A_195, %dma_wait3A_196] : memref<100000x128xf32, #tpu.memory_space<hbm>> -> memref<208x128xf32, #tpu.memory_space<hbm>>
    tpu.wait_dma2 semaphore(%arg9 : memref<!tpu.dma_semaphore, #tpu.memory_space<semaphore_mem>>) src(%dma_wait3A_197 : memref<208x128xf32, #tpu.memory_space<hbm>>) dst(%dma_wait3A_194 : memref<208x128xf32, #tpu.memory_space<vmem>>)
    %add3A_198 = arith.constant 416 : i32
    %add3A_199 = arith.addi %mul3A_2, %add3A_198 : i32
    %dma_start3A_200 = arith.constant 2 : i32
    %dma_start3A_201 = arith.constant 0 : i32
    %dma_start3A_202 = arith.constant 0 : i32
    %dma_start3A_203 = tpu.memref_slice %arg6[%dma_start3A_200, %dma_start3A_201, %dma_start3A_202] : memref<4x208x128xf32, #tpu.memory_space<vmem>> -> memref<1x208x128xf32, #tpu.memory_space<vmem>>
    %dma_start3A_204 = tpu.memref_squeeze %dma_start3A_203 : memref<1x208x128xf32, #tpu.memory_space<vmem>> -> memref<208x128xf32, #tpu.memory_space<vmem>>
    %dma_start3A_205 = arith.constant 0 : i32
    %dma_start3A_206 = tpu.memref_slice %arg4[%add3A_199, %dma_start3A_205] : memref<425984x128xf32, #tpu.memory_space<hbm>> -> memref<208x128xf32, #tpu.memory_space<hbm>>
    %dma_start3A_207 = arith.constant 0 : i32
    %dma_start3A_208 = tpu.memref_slice %arg4[%add3A_199, %dma_start3A_207] : memref<425984x128xf32, #tpu.memory_space<hbm>> -> memref<208x128xf32, #tpu.memory_space<hbm>>
    %dma_start3A_209 = arith.constant 0 : i32
    %dma_start3A_210 = arith.constant 0 : i32
    %dma_start3A_211 = tpu.memref_slice %arg6[%dma_start3A_200, %dma_start3A_209, %dma_start3A_210] : memref<4x208x128xf32, #tpu.memory_space<vmem>> -> memref<1x208x128xf32, #tpu.memory_space<vmem>>
    %dma_start3A_212 = tpu.memref_squeeze %dma_start3A_211 : memref<1x208x128xf32, #tpu.memory_space<vmem>> -> memref<208x128xf32, #tpu.memory_space<vmem>>
    tpu.enqueue_dma source(%dma_start3A_212 : memref<208x128xf32, #tpu.memory_space<vmem>>) target(%dma_start3A_208 : memref<208x128xf32, #tpu.memory_space<hbm>>) target_semaphore(%arg13 : memref<!tpu.dma_semaphore, #tpu.memory_space<semaphore_mem>>)
    %dma_wait3A_213 = arith.constant 1 : i32
    %dma_wait3A_214 = arith.constant 0 : i32
    %dma_wait3A_215 = arith.constant 0 : i32
    %dma_wait3A_216 = tpu.memref_slice %arg6[%dma_wait3A_213, %dma_wait3A_214, %dma_wait3A_215] : memref<4x208x128xf32, #tpu.memory_space<vmem>> -> memref<1x208x128xf32, #tpu.memory_space<vmem>>
    %dma_wait3A_217 = tpu.memref_squeeze %dma_wait3A_216 : memref<1x208x128xf32, #tpu.memory_space<vmem>> -> memref<208x128xf32, #tpu.memory_space<vmem>>
    %dma_wait3A_218 = arith.constant 0 : i32
    %dma_wait3A_219 = tpu.memref_slice %arg4[%mul3A_2, %dma_wait3A_218] : memref<425984x128xf32, #tpu.memory_space<hbm>> -> memref<208x128xf32, #tpu.memory_space<hbm>>
    %dma_wait3A_220 = arith.constant 0 : i32
    %dma_wait3A_221 = tpu.memref_slice %arg4[%mul3A_2, %dma_wait3A_220] : memref<425984x128xf32, #tpu.memory_space<hbm>> -> memref<208x128xf32, #tpu.memory_space<hbm>>
    %dma_wait3A_222 = arith.constant 0 : i32
    %dma_wait3A_223 = arith.constant 0 : i32
    %dma_wait3A_224 = tpu.memref_slice %arg6[%dma_wait3A_213, %dma_wait3A_222, %dma_wait3A_223] : memref<4x208x128xf32, #tpu.memory_space<vmem>> -> memref<1x208x128xf32, #tpu.memory_space<vmem>>
    %dma_wait3A_225 = tpu.memref_squeeze %dma_wait3A_224 : memref<1x208x128xf32, #tpu.memory_space<vmem>> -> memref<208x128xf32, #tpu.memory_space<vmem>>
    tpu.wait_dma2 semaphore(%arg12 : memref<!tpu.dma_semaphore, #tpu.memory_space<semaphore_mem>>) src(%dma_wait3A_225 : memref<208x128xf32, #tpu.memory_space<vmem>>) dst(%dma_wait3A_221 : memref<208x128xf32, #tpu.memory_space<hbm>>)
    %multiple_of3A_226 = arith.constant 1040 : i32
    %multiple_of3A_227 = tpu.assume_multiple %multiple_of3A_226, 104 : i32
    %dma_start3A_228 = arith.constant 1 : i32
    %dma_start3A_229 = arith.constant 0 : i32
    %dma_start3A_230 = arith.constant 0 : i32
    %dma_start3A_231 = tpu.memref_slice %arg6[%dma_start3A_228, %dma_start3A_229, %dma_start3A_230] : memref<4x208x128xf32, #tpu.memory_space<vmem>> -> memref<1x104x128xf32, #tpu.memory_space<vmem>>
    %dma_start3A_232 = tpu.memref_squeeze %dma_start3A_231 : memref<1x104x128xf32, #tpu.memory_space<vmem>> -> memref<104x128xf32, #tpu.memory_space<vmem>>
    %dma_start3A_233 = tpu.memref_slice %arg5[%multiple_of3A_227] : memref<13312xi32, #tpu.memory_space<vmem>> -> memref<104xi32, #tpu.memory_space<vmem>>
    %dma_start3A_234 = arith.constant 0 : i32
    %dma_start3A_235 = arith.constant 0 : i32
    %dma_start3A_236 = tpu.memref_slice %arg2[%dma_start3A_234, %dma_start3A_235] : memref<100000x128xf32, #tpu.memory_space<hbm>> -> memref<100000x128xf32, #tpu.memory_space<hbm>>
    tpu.enqueue_indirect_dma source(%dma_start3A_236 : memref<100000x128xf32, #tpu.memory_space<hbm>>) target(%dma_start3A_232 : memref<104x128xf32, #tpu.memory_space<vmem>>) offsets(%dma_start3A_233 : memref<104xi32, #tpu.memory_space<vmem>>) semaphore(%arg8 : memref<!tpu.dma_semaphore, #tpu.memory_space<semaphore_mem>>)
    %multiple_of3A_237 = arith.constant 1144 : i32
    %multiple_of3A_238 = tpu.assume_multiple %multiple_of3A_237, 104 : i32
    %dma_start3A_239 = arith.constant 1 : i32
    %dma_start3A_240 = arith.constant 104 : i32
    %dma_start3A_241 = arith.constant 0 : i32
    %dma_start3A_242 = tpu.memref_slice %arg6[%dma_start3A_239, %dma_start3A_240, %dma_start3A_241] : memref<4x208x128xf32, #tpu.memory_space<vmem>> -> memref<1x104x128xf32, #tpu.memory_space<vmem>>
    %dma_start3A_243 = tpu.memref_squeeze %dma_start3A_242 : memref<1x104x128xf32, #tpu.memory_space<vmem>> -> memref<104x128xf32, #tpu.memory_space<vmem>>
    %dma_start3A_244 = tpu.memref_slice %arg5[%multiple_of3A_238] : memref<13312xi32, #tpu.memory_space<vmem>> -> memref<104xi32, #tpu.memory_space<vmem>>
    %dma_start3A_245 = arith.constant 0 : i32
    %dma_start3A_246 = arith.constant 0 : i32
    %dma_start3A_247 = tpu.memref_slice %arg2[%dma_start3A_245, %dma_start3A_246] : memref<100000x128xf32, #tpu.memory_space<hbm>> -> memref<100000x128xf32, #tpu.memory_space<hbm>>
    tpu.enqueue_indirect_dma source(%dma_start3A_247 : memref<100000x128xf32, #tpu.memory_space<hbm>>) target(%dma_start3A_243 : memref<104x128xf32, #tpu.memory_space<vmem>>) offsets(%dma_start3A_244 : memref<104xi32, #tpu.memory_space<vmem>>) semaphore(%arg8 : memref<!tpu.dma_semaphore, #tpu.memory_space<semaphore_mem>>)
    %dma_wait3A_248 = arith.constant 3 : i32
    %dma_wait3A_249 = arith.constant 0 : i32
    %dma_wait3A_250 = arith.constant 0 : i32
    %dma_wait3A_251 = tpu.memref_slice %arg6[%dma_wait3A_248, %dma_wait3A_249, %dma_wait3A_250] : memref<4x208x128xf32, #tpu.memory_space<vmem>> -> memref<1x208x128xf32, #tpu.memory_space<vmem>>
    %dma_wait3A_252 = tpu.memref_squeeze %dma_wait3A_251 : memref<1x208x128xf32, #tpu.memory_space<vmem>> -> memref<208x128xf32, #tpu.memory_space<vmem>>
    %dma_wait3A_253 = arith.constant 0 : i32
    %dma_wait3A_254 = arith.constant 0 : i32
    %dma_wait3A_255 = tpu.memref_slice %arg2[%dma_wait3A_253, %dma_wait3A_254] : memref<100000x128xf32, #tpu.memory_space<hbm>> -> memref<208x128xf32, #tpu.memory_space<hbm>>
    %dma_wait3A_256 = arith.constant 0 : i32
    %dma_wait3A_257 = arith.constant 0 : i32
    %dma_wait3A_258 = tpu.memref_slice %arg6[%dma_wait3A_248, %dma_wait3A_256, %dma_wait3A_257] : memref<4x208x128xf32, #tpu.memory_space<vmem>> -> memref<1x208x128xf32, #tpu.memory_space<vmem>>
    %dma_wait3A_259 = tpu.memref_squeeze %dma_wait3A_258 : memref<1x208x128xf32, #tpu.memory_space<vmem>> -> memref<208x128xf32, #tpu.memory_space<vmem>>
    %dma_wait3A_260 = arith.constant 0 : i32
    %dma_wait3A_261 = arith.constant 0 : i32
    %dma_wait3A_262 = tpu.memref_slice %arg2[%dma_wait3A_260, %dma_wait3A_261] : memref<100000x128xf32, #tpu.memory_space<hbm>> -> memref<208x128xf32, #tpu.memory_space<hbm>>
    tpu.wait_dma2 semaphore(%arg10 : memref<!tpu.dma_semaphore, #tpu.memory_space<semaphore_mem>>) src(%dma_wait3A_262 : memref<208x128xf32, #tpu.memory_space<hbm>>) dst(%dma_wait3A_259 : memref<208x128xf32, #tpu.memory_space<vmem>>)
    %add3A_263 = arith.constant 624 : i32
    %add3A_264 = arith.addi %mul3A_2, %add3A_263 : i32
    %dma_start3A_265 = arith.constant 3 : i32
    %dma_start3A_266 = arith.constant 0 : i32
    %dma_start3A_267 = arith.constant 0 : i32
    %dma_start3A_268 = tpu.memref_slice %arg6[%dma_start3A_265, %dma_start3A_266, %dma_start3A_267] : memref<4x208x128xf32, #tpu.memory_space<vmem>> -> memref<1x208x128xf32, #tpu.memory_space<vmem>>
    %dma_start3A_269 = tpu.memref_squeeze %dma_start3A_268 : memref<1x208x128xf32, #tpu.memory_space<vmem>> -> memref<208x128xf32, #tpu.memory_space<vmem>>
    %dma_start3A_270 = arith.constant 0 : i32
    %dma_start3A_271 = tpu.memref_slice %arg4[%add3A_264, %dma_start3A_270] : memref<425984x128xf32, #tpu.memory_space<hbm>> -> memref<208x128xf32, #tpu.memory_space<hbm>>
    %dma_start3A_272 = arith.constant 0 : i32
    %dma_start3A_273 = tpu.memref_slice %arg4[%add3A_264, %dma_start3A_272] : memref<425984x128xf32, #tpu.memory_space<hbm>> -> memref<208x128xf32, #tpu.memory_space<hbm>>
    %dma_start3A_274 = arith.constant 0 : i32
    %dma_start3A_275 = arith.constant 0 : i32
    %dma_start3A_276 = tpu.memref_slice %arg6[%dma_start3A_265, %dma_start3A_274, %dma_start3A_275] : memref<4x208x128xf32, #tpu.memory_space<vmem>> -> memref<1x208x128xf32, #tpu.memory_space<vmem>>
    %dma_start3A_277 = tpu.memref_squeeze %dma_start3A_276 : memref<1x208x128xf32, #tpu.memory_space<vmem>> -> memref<208x128xf32, #tpu.memory_space<vmem>>
    tpu.enqueue_dma source(%dma_start3A_277 : memref<208x128xf32, #tpu.memory_space<vmem>>) target(%dma_start3A_273 : memref<208x128xf32, #tpu.memory_space<hbm>>) target_semaphore(%arg14 : memref<!tpu.dma_semaphore, #tpu.memory_space<semaphore_mem>>)
    %scan3A = arith.constant 0 : i32
    %scan3A_278 = arith.constant 1 : i32
    %scan3A_279 = arith.constant 14 : i32
    %scan3A_280 = arith.addi %scan3A_278, %scan3A_279 : i32
    %scan3A_281 = arith.constant 1 : i32
    scf.for %scan3A_525 = %scan3A_278 to %scan3A_280 step %scan3A_281  : i32 {
      %mul3A_526 = arith.constant 4 : i32
      %mul3A_527 = arith.muli %scan3A_525, %mul3A_526 : i32
      %add3A_528 = arith.constant 0 : i32
      %add3A_529 = arith.addi %mul3A_527, %add3A_528 : i32
      %dma_wait3A_530 = arith.constant 2 : i32
      %dma_wait3A_531 = arith.constant 0 : i32
      %dma_wait3A_532 = arith.constant 0 : i32
      %dma_wait3A_533 = tpu.memref_slice %arg6[%dma_wait3A_530, %dma_wait3A_531, %dma_wait3A_532] : memref<4x208x128xf32, #tpu.memory_space<vmem>> -> memref<1x208x128xf32, #tpu.memory_space<vmem>>
      %dma_wait3A_534 = tpu.memref_squeeze %dma_wait3A_533 : memref<1x208x128xf32, #tpu.memory_space<vmem>> -> memref<208x128xf32, #tpu.memory_space<vmem>>
      %dma_wait3A_535 = arith.constant 0 : i32
      %dma_wait3A_536 = tpu.memref_slice %arg4[%mul3A_2, %dma_wait3A_535] : memref<425984x128xf32, #tpu.memory_space<hbm>> -> memref<208x128xf32, #tpu.memory_space<hbm>>
      %dma_wait3A_537 = arith.constant 0 : i32
      %dma_wait3A_538 = tpu.memref_slice %arg4[%mul3A_2, %dma_wait3A_537] : memref<425984x128xf32, #tpu.memory_space<hbm>> -> memref<208x128xf32, #tpu.memory_space<hbm>>
      %dma_wait3A_539 = arith.constant 0 : i32
      %dma_wait3A_540 = arith.constant 0 : i32
      %dma_wait3A_541 = tpu.memref_slice %arg6[%dma_wait3A_530, %dma_wait3A_539, %dma_wait3A_540] : memref<4x208x128xf32, #tpu.memory_space<vmem>> -> memref<1x208x128xf32, #tpu.memory_space<vmem>>
      %dma_wait3A_542 = tpu.memref_squeeze %dma_wait3A_541 : memref<1x208x128xf32, #tpu.memory_space<vmem>> -> memref<208x128xf32, #tpu.memory_space<vmem>>
      tpu.wait_dma2 semaphore(%arg13 : memref<!tpu.dma_semaphore, #tpu.memory_space<semaphore_mem>>) src(%dma_wait3A_542 : memref<208x128xf32, #tpu.memory_space<vmem>>) dst(%dma_wait3A_538 : memref<208x128xf32, #tpu.memory_space<hbm>>)
      %add3A_543 = arith.constant 2 : i32
      %add3A_544 = arith.addi %add3A_529, %add3A_543 : i32
      %mul3A_545 = arith.constant 208 : i32
      %mul3A_546 = arith.muli %add3A_544, %mul3A_545 : i32
      %add3A_547 = arith.constant 0 : i32
      %add3A_548 = arith.addi %mul3A_546, %add3A_547 : i32
      %multiple_of3A_549 = tpu.assume_multiple %add3A_548, 104 : i32
      %dma_start3A_550 = arith.constant 2 : i32
      %dma_start3A_551 = arith.constant 0 : i32
      %dma_start3A_552 = arith.constant 0 : i32
      %dma_start3A_553 = tpu.memref_slice %arg6[%dma_start3A_550, %dma_start3A_551, %dma_start3A_552] : memref<4x208x128xf32, #tpu.memory_space<vmem>> -> memref<1x104x128xf32, #tpu.memory_space<vmem>>
      %dma_start3A_554 = tpu.memref_squeeze %dma_start3A_553 : memref<1x104x128xf32, #tpu.memory_space<vmem>> -> memref<104x128xf32, #tpu.memory_space<vmem>>
      %dma_start3A_555 = tpu.memref_slice %arg5[%multiple_of3A_549] : memref<13312xi32, #tpu.memory_space<vmem>> -> memref<104xi32, #tpu.memory_space<vmem>>
      %dma_start3A_556 = arith.constant 0 : i32
      %dma_start3A_557 = arith.constant 0 : i32
      %dma_start3A_558 = tpu.memref_slice %arg2[%dma_start3A_556, %dma_start3A_557] : memref<100000x128xf32, #tpu.memory_space<hbm>> -> memref<100000x128xf32, #tpu.memory_space<hbm>>
      tpu.enqueue_indirect_dma source(%dma_start3A_558 : memref<100000x128xf32, #tpu.memory_space<hbm>>) target(%dma_start3A_554 : memref<104x128xf32, #tpu.memory_space<vmem>>) offsets(%dma_start3A_555 : memref<104xi32, #tpu.memory_space<vmem>>) semaphore(%arg9 : memref<!tpu.dma_semaphore, #tpu.memory_space<semaphore_mem>>)
      %mul3A_559 = arith.constant 208 : i32
      %mul3A_560 = arith.muli %add3A_544, %mul3A_559 : i32
      %add3A_561 = arith.constant 104 : i32
      %add3A_562 = arith.addi %mul3A_560, %add3A_561 : i32
      %multiple_of3A_563 = tpu.assume_multiple %add3A_562, 104 : i32
      %dma_start3A_564 = arith.constant 2 : i32
      %dma_start3A_565 = arith.constant 104 : i32
      %dma_start3A_566 = arith.constant 0 : i32
      %dma_start3A_567 = tpu.memref_slice %arg6[%dma_start3A_564, %dma_start3A_565, %dma_start3A_566] : memref<4x208x128xf32, #tpu.memory_space<vmem>> -> memref<1x104x128xf32, #tpu.memory_space<vmem>>
      %dma_start3A_568 = tpu.memref_squeeze %dma_start3A_567 : memref<1x104x128xf32, #tpu.memory_space<vmem>> -> memref<104x128xf32, #tpu.memory_space<vmem>>
      %dma_start3A_569 = tpu.memref_slice %arg5[%multiple_of3A_563] : memref<13312xi32, #tpu.memory_space<vmem>> -> memref<104xi32, #tpu.memory_space<vmem>>
      %dma_start3A_570 = arith.constant 0 : i32
      %dma_start3A_571 = arith.constant 0 : i32
      %dma_start3A_572 = tpu.memref_slice %arg2[%dma_start3A_570, %dma_start3A_571] : memref<100000x128xf32, #tpu.memory_space<hbm>> -> memref<100000x128xf32, #tpu.memory_space<hbm>>
      tpu.enqueue_indirect_dma source(%dma_start3A_572 : memref<100000x128xf32, #tpu.memory_space<hbm>>) target(%dma_start3A_568 : memref<104x128xf32, #tpu.memory_space<vmem>>) offsets(%dma_start3A_569 : memref<104xi32, #tpu.memory_space<vmem>>) semaphore(%arg9 : memref<!tpu.dma_semaphore, #tpu.memory_space<semaphore_mem>>)
      %dma_wait3A_573 = arith.constant 0 : i32
      %dma_wait3A_574 = arith.constant 0 : i32
      %dma_wait3A_575 = arith.constant 0 : i32
      %dma_wait3A_576 = tpu.memref_slice %arg6[%dma_wait3A_573, %dma_wait3A_574, %dma_wait3A_575] : memref<4x208x128xf32, #tpu.memory_space<vmem>> -> memref<1x208x128xf32, #tpu.memory_space<vmem>>
      %dma_wait3A_577 = tpu.memref_squeeze %dma_wait3A_576 : memref<1x208x128xf32, #tpu.memory_space<vmem>> -> memref<208x128xf32, #tpu.memory_space<vmem>>
      %dma_wait3A_578 = arith.constant 0 : i32
      %dma_wait3A_579 = arith.constant 0 : i32
      %dma_wait3A_580 = tpu.memref_slice %arg2[%dma_wait3A_578, %dma_wait3A_579] : memref<100000x128xf32, #tpu.memory_space<hbm>> -> memref<208x128xf32, #tpu.memory_space<hbm>>
      %dma_wait3A_581 = arith.constant 0 : i32
      %dma_wait3A_582 = arith.constant 0 : i32
      %dma_wait3A_583 = tpu.memref_slice %arg6[%dma_wait3A_573, %dma_wait3A_581, %dma_wait3A_582] : memref<4x208x128xf32, #tpu.memory_space<vmem>> -> memref<1x208x128xf32, #tpu.memory_space<vmem>>
      %dma_wait3A_584 = tpu.memref_squeeze %dma_wait3A_583 : memref<1x208x128xf32, #tpu.memory_space<vmem>> -> memref<208x128xf32, #tpu.memory_space<vmem>>
      %dma_wait3A_585 = arith.constant 0 : i32
      %dma_wait3A_586 = arith.constant 0 : i32
      %dma_wait3A_587 = tpu.memref_slice %arg2[%dma_wait3A_585, %dma_wait3A_586] : memref<100000x128xf32, #tpu.memory_space<hbm>> -> memref<208x128xf32, #tpu.memory_space<hbm>>
      tpu.wait_dma2 semaphore(%arg7 : memref<!tpu.dma_semaphore, #tpu.memory_space<semaphore_mem>>) src(%dma_wait3A_587 : memref<208x128xf32, #tpu.memory_space<hbm>>) dst(%dma_wait3A_584 : memref<208x128xf32, #tpu.memory_space<vmem>>)
      %mul3A_588 = arith.constant 208 : i32
      %mul3A_589 = arith.muli %add3A_529, %mul3A_588 : i32
      %add3A_590 = arith.addi %mul3A_2, %mul3A_589 : i32
      %dma_start3A_591 = arith.constant 0 : i32
      %dma_start3A_592 = arith.constant 0 : i32
      %dma_start3A_593 = arith.constant 0 : i32
      %dma_start3A_594 = tpu.memref_slice %arg6[%dma_start3A_591, %dma_start3A_592, %dma_start3A_593] : memref<4x208x128xf32, #tpu.memory_space<vmem>> -> memref<1x208x128xf32, #tpu.memory_space<vmem>>
      %dma_start3A_595 = tpu.memref_squeeze %dma_start3A_594 : memref<1x208x128xf32, #tpu.memory_space<vmem>> -> memref<208x128xf32, #tpu.memory_space<vmem>>
      %dma_start3A_596 = arith.constant 0 : i32
      %dma_start3A_597 = tpu.memref_slice %arg4[%add3A_590, %dma_start3A_596] : memref<425984x128xf32, #tpu.memory_space<hbm>> -> memref<208x128xf32, #tpu.memory_space<hbm>>
      %dma_start3A_598 = arith.constant 0 : i32
      %dma_start3A_599 = tpu.memref_slice %arg4[%add3A_590, %dma_start3A_598] : memref<425984x128xf32, #tpu.memory_space<hbm>> -> memref<208x128xf32, #tpu.memory_space<hbm>>
      %dma_start3A_600 = arith.constant 0 : i32
      %dma_start3A_601 = arith.constant 0 : i32
      %dma_start3A_602 = tpu.memref_slice %arg6[%dma_start3A_591, %dma_start3A_600, %dma_start3A_601] : memref<4x208x128xf32, #tpu.memory_space<vmem>> -> memref<1x208x128xf32, #tpu.memory_space<vmem>>
      %dma_start3A_603 = tpu.memref_squeeze %dma_start3A_602 : memref<1x208x128xf32, #tpu.memory_space<vmem>> -> memref<208x128xf32, #tpu.memory_space<vmem>>
      tpu.enqueue_dma source(%dma_start3A_603 : memref<208x128xf32, #tpu.memory_space<vmem>>) target(%dma_start3A_599 : memref<208x128xf32, #tpu.memory_space<hbm>>) target_semaphore(%arg11 : memref<!tpu.dma_semaphore, #tpu.memory_space<semaphore_mem>>)
      %add3A_604 = arith.constant 1 : i32
      %add3A_605 = arith.addi %mul3A_527, %add3A_604 : i32
      %dma_wait3A_606 = arith.constant 3 : i32
      %dma_wait3A_607 = arith.constant 0 : i32
      %dma_wait3A_608 = arith.constant 0 : i32
      %dma_wait3A_609 = tpu.memref_slice %arg6[%dma_wait3A_606, %dma_wait3A_607, %dma_wait3A_608] : memref<4x208x128xf32, #tpu.memory_space<vmem>> -> memref<1x208x128xf32, #tpu.memory_space<vmem>>
      %dma_wait3A_610 = tpu.memref_squeeze %dma_wait3A_609 : memref<1x208x128xf32, #tpu.memory_space<vmem>> -> memref<208x128xf32, #tpu.memory_space<vmem>>
      %dma_wait3A_611 = arith.constant 0 : i32
      %dma_wait3A_612 = tpu.memref_slice %arg4[%mul3A_2, %dma_wait3A_611] : memref<425984x128xf32, #tpu.memory_space<hbm>> -> memref<208x128xf32, #tpu.memory_space<hbm>>
      %dma_wait3A_613 = arith.constant 0 : i32
      %dma_wait3A_614 = tpu.memref_slice %arg4[%mul3A_2, %dma_wait3A_613] : memref<425984x128xf32, #tpu.memory_space<hbm>> -> memref<208x128xf32, #tpu.memory_space<hbm>>
      %dma_wait3A_615 = arith.constant 0 : i32
      %dma_wait3A_616 = arith.constant 0 : i32
      %dma_wait3A_617 = tpu.memref_slice %arg6[%dma_wait3A_606, %dma_wait3A_615, %dma_wait3A_616] : memref<4x208x128xf32, #tpu.memory_space<vmem>> -> memref<1x208x128xf32, #tpu.memory_space<vmem>>
      %dma_wait3A_618 = tpu.memref_squeeze %dma_wait3A_617 : memref<1x208x128xf32, #tpu.memory_space<vmem>> -> memref<208x128xf32, #tpu.memory_space<vmem>>
      tpu.wait_dma2 semaphore(%arg14 : memref<!tpu.dma_semaphore, #tpu.memory_space<semaphore_mem>>) src(%dma_wait3A_618 : memref<208x128xf32, #tpu.memory_space<vmem>>) dst(%dma_wait3A_614 : memref<208x128xf32, #tpu.memory_space<hbm>>)
      %add3A_619 = arith.constant 2 : i32
      %add3A_620 = arith.addi %add3A_605, %add3A_619 : i32
      %mul3A_621 = arith.constant 208 : i32
      %mul3A_622 = arith.muli %add3A_620, %mul3A_621 : i32
      %add3A_623 = arith.constant 0 : i32
      %add3A_624 = arith.addi %mul3A_622, %add3A_623 : i32
      %multiple_of3A_625 = tpu.assume_multiple %add3A_624, 104 : i32
      %dma_start3A_626 = arith.constant 3 : i32
      %dma_start3A_627 = arith.constant 0 : i32
      %dma_start3A_628 = arith.constant 0 : i32
      %dma_start3A_629 = tpu.memref_slice %arg6[%dma_start3A_626, %dma_start3A_627, %dma_start3A_628] : memref<4x208x128xf32, #tpu.memory_space<vmem>> -> memref<1x104x128xf32, #tpu.memory_space<vmem>>
      %dma_start3A_630 = tpu.memref_squeeze %dma_start3A_629 : memref<1x104x128xf32, #tpu.memory_space<vmem>> -> memref<104x128xf32, #tpu.memory_space<vmem>>
      %dma_start3A_631 = tpu.memref_slice %arg5[%multiple_of3A_625] : memref<13312xi32, #tpu.memory_space<vmem>> -> memref<104xi32, #tpu.memory_space<vmem>>
      %dma_start3A_632 = arith.constant 0 : i32
      %dma_start3A_633 = arith.constant 0 : i32
      %dma_start3A_634 = tpu.memref_slice %arg2[%dma_start3A_632, %dma_start3A_633] : memref<100000x128xf32, #tpu.memory_space<hbm>> -> memref<100000x128xf32, #tpu.memory_space<hbm>>
      tpu.enqueue_indirect_dma source(%dma_start3A_634 : memref<100000x128xf32, #tpu.memory_space<hbm>>) target(%dma_start3A_630 : memref<104x128xf32, #tpu.memory_space<vmem>>) offsets(%dma_start3A_631 : memref<104xi32, #tpu.memory_space<vmem>>) semaphore(%arg10 : memref<!tpu.dma_semaphore, #tpu.memory_space<semaphore_mem>>)
      %mul3A_635 = arith.constant 208 : i32
      %mul3A_636 = arith.muli %add3A_620, %mul3A_635 : i32
      %add3A_637 = arith.constant 104 : i32
      %add3A_638 = arith.addi %mul3A_636, %add3A_637 : i32
      %multiple_of3A_639 = tpu.assume_multiple %add3A_638, 104 : i32
      %dma_start3A_640 = arith.constant 3 : i32
      %dma_start3A_641 = arith.constant 104 : i32
      %dma_start3A_642 = arith.constant 0 : i32
      %dma_start3A_643 = tpu.memref_slice %arg6[%dma_start3A_640, %dma_start3A_641, %dma_start3A_642] : memref<4x208x128xf32, #tpu.memory_space<vmem>> -> memref<1x104x128xf32, #tpu.memory_space<vmem>>
      %dma_start3A_644 = tpu.memref_squeeze %dma_start3A_643 : memref<1x104x128xf32, #tpu.memory_space<vmem>> -> memref<104x128xf32, #tpu.memory_space<vmem>>
      %dma_start3A_645 = tpu.memref_slice %arg5[%multiple_of3A_639] : memref<13312xi32, #tpu.memory_space<vmem>> -> memref<104xi32, #tpu.memory_space<vmem>>
      %dma_start3A_646 = arith.constant 0 : i32
      %dma_start3A_647 = arith.constant 0 : i32
      %dma_start3A_648 = tpu.memref_slice %arg2[%dma_start3A_646, %dma_start3A_647] : memref<100000x128xf32, #tpu.memory_space<hbm>> -> memref<100000x128xf32, #tpu.memory_space<hbm>>
      tpu.enqueue_indirect_dma source(%dma_start3A_648 : memref<100000x128xf32, #tpu.memory_space<hbm>>) target(%dma_start3A_644 : memref<104x128xf32, #tpu.memory_space<vmem>>) offsets(%dma_start3A_645 : memref<104xi32, #tpu.memory_space<vmem>>) semaphore(%arg10 : memref<!tpu.dma_semaphore, #tpu.memory_space<semaphore_mem>>)
      %dma_wait3A_649 = arith.constant 1 : i32
      %dma_wait3A_650 = arith.constant 0 : i32
      %dma_wait3A_651 = arith.constant 0 : i32
      %dma_wait3A_652 = tpu.memref_slice %arg6[%dma_wait3A_649, %dma_wait3A_650, %dma_wait3A_651] : memref<4x208x128xf32, #tpu.memory_space<vmem>> -> memref<1x208x128xf32, #tpu.memory_space<vmem>>
      %dma_wait3A_653 = tpu.memref_squeeze %dma_wait3A_652 : memref<1x208x128xf32, #tpu.memory_space<vmem>> -> memref<208x128xf32, #tpu.memory_space<vmem>>
      %dma_wait3A_654 = arith.constant 0 : i32
      %dma_wait3A_655 = arith.constant 0 : i32
      %dma_wait3A_656 = tpu.memref_slice %arg2[%dma_wait3A_654, %dma_wait3A_655] : memref<100000x128xf32, #tpu.memory_space<hbm>> -> memref<208x128xf32, #tpu.memory_space<hbm>>
      %dma_wait3A_657 = arith.constant 0 : i32
      %dma_wait3A_658 = arith.constant 0 : i32
      %dma_wait3A_659 = tpu.memref_slice %arg6[%dma_wait3A_649, %dma_wait3A_657, %dma_wait3A_658] : memref<4x208x128xf32, #tpu.memory_space<vmem>> -> memref<1x208x128xf32, #tpu.memory_space<vmem>>
      %dma_wait3A_660 = tpu.memref_squeeze %dma_wait3A_659 : memref<1x208x128xf32, #tpu.memory_space<vmem>> -> memref<208x128xf32, #tpu.memory_space<vmem>>
      %dma_wait3A_661 = arith.constant 0 : i32
      %dma_wait3A_662 = arith.constant 0 : i32
      %dma_wait3A_663 = tpu.memref_slice %arg2[%dma_wait3A_661, %dma_wait3A_662] : memref<100000x128xf32, #tpu.memory_space<hbm>> -> memref<208x128xf32, #tpu.memory_space<hbm>>
      tpu.wait_dma2 semaphore(%arg8 : memref<!tpu.dma_semaphore, #tpu.memory_space<semaphore_mem>>) src(%dma_wait3A_663 : memref<208x128xf32, #tpu.memory_space<hbm>>) dst(%dma_wait3A_660 : memref<208x128xf32, #tpu.memory_space<vmem>>)
      %mul3A_664 = arith.constant 208 : i32
      %mul3A_665 = arith.muli %add3A_605, %mul3A_664 : i32
      %add3A_666 = arith.addi %mul3A_2, %mul3A_665 : i32
      %dma_start3A_667 = arith.constant 1 : i32
      %dma_start3A_668 = arith.constant 0 : i32
      %dma_start3A_669 = arith.constant 0 : i32
      %dma_start3A_670 = tpu.memref_slice %arg6[%dma_start3A_667, %dma_start3A_668, %dma_start3A_669] : memref<4x208x128xf32, #tpu.memory_space<vmem>> -> memref<1x208x128xf32, #tpu.memory_space<vmem>>
      %dma_start3A_671 = tpu.memref_squeeze %dma_start3A_670 : memref<1x208x128xf32, #tpu.memory_space<vmem>> -> memref<208x128xf32, #tpu.memory_space<vmem>>
      %dma_start3A_672 = arith.constant 0 : i32
      %dma_start3A_673 = tpu.memref_slice %arg4[%add3A_666, %dma_start3A_672] : memref<425984x128xf32, #tpu.memory_space<hbm>> -> memref<208x128xf32, #tpu.memory_space<hbm>>
      %dma_start3A_674 = arith.constant 0 : i32
      %dma_start3A_675 = tpu.memref_slice %arg4[%add3A_666, %dma_start3A_674] : memref<425984x128xf32, #tpu.memory_space<hbm>> -> memref<208x128xf32, #tpu.memory_space<hbm>>
      %dma_start3A_676 = arith.constant 0 : i32
      %dma_start3A_677 = arith.constant 0 : i32
      %dma_start3A_678 = tpu.memref_slice %arg6[%dma_start3A_667, %dma_start3A_676, %dma_start3A_677] : memref<4x208x128xf32, #tpu.memory_space<vmem>> -> memref<1x208x128xf32, #tpu.memory_space<vmem>>
      %dma_start3A_679 = tpu.memref_squeeze %dma_start3A_678 : memref<1x208x128xf32, #tpu.memory_space<vmem>> -> memref<208x128xf32, #tpu.memory_space<vmem>>
      tpu.enqueue_dma source(%dma_start3A_679 : memref<208x128xf32, #tpu.memory_space<vmem>>) target(%dma_start3A_675 : memref<208x128xf32, #tpu.memory_space<hbm>>) target_semaphore(%arg12 : memref<!tpu.dma_semaphore, #tpu.memory_space<semaphore_mem>>)
      %add3A_680 = arith.constant 2 : i32
      %add3A_681 = arith.addi %mul3A_527, %add3A_680 : i32
      %dma_wait3A_682 = arith.constant 0 : i32
      %dma_wait3A_683 = arith.constant 0 : i32
      %dma_wait3A_684 = arith.constant 0 : i32
      %dma_wait3A_685 = tpu.memref_slice %arg6[%dma_wait3A_682, %dma_wait3A_683, %dma_wait3A_684] : memref<4x208x128xf32, #tpu.memory_space<vmem>> -> memref<1x208x128xf32, #tpu.memory_space<vmem>>
      %dma_wait3A_686 = tpu.memref_squeeze %dma_wait3A_685 : memref<1x208x128xf32, #tpu.memory_space<vmem>> -> memref<208x128xf32, #tpu.memory_space<vmem>>
      %dma_wait3A_687 = arith.constant 0 : i32
      %dma_wait3A_688 = tpu.memref_slice %arg4[%mul3A_2, %dma_wait3A_687] : memref<425984x128xf32, #tpu.memory_space<hbm>> -> memref<208x128xf32, #tpu.memory_space<hbm>>
      %dma_wait3A_689 = arith.constant 0 : i32
      %dma_wait3A_690 = tpu.memref_slice %arg4[%mul3A_2, %dma_wait3A_689] : memref<425984x128xf32, #tpu.memory_space<hbm>> -> memref<208x128xf32, #tpu.memory_space<hbm>>
      %dma_wait3A_691 = arith.constant 0 : i32
      %dma_wait3A_692 = arith.constant 0 : i32
      %dma_wait3A_693 = tpu.memref_slice %arg6[%dma_wait3A_682, %dma_wait3A_691, %dma_wait3A_692] : memref<4x208x128xf32, #tpu.memory_space<vmem>> -> memref<1x208x128xf32, #tpu.memory_space<vmem>>
      %dma_wait3A_694 = tpu.memref_squeeze %dma_wait3A_693 : memref<1x208x128xf32, #tpu.memory_space<vmem>> -> memref<208x128xf32, #tpu.memory_space<vmem>>
      tpu.wait_dma2 semaphore(%arg11 : memref<!tpu.dma_semaphore, #tpu.memory_space<semaphore_mem>>) src(%dma_wait3A_694 : memref<208x128xf32, #tpu.memory_space<vmem>>) dst(%dma_wait3A_690 : memref<208x128xf32, #tpu.memory_space<hbm>>)
      %add3A_695 = arith.constant 2 : i32
      %add3A_696 = arith.addi %add3A_681, %add3A_695 : i32
      %mul3A_697 = arith.constant 208 : i32
      %mul3A_698 = arith.muli %add3A_696, %mul3A_697 : i32
      %add3A_699 = arith.constant 0 : i32
      %add3A_700 = arith.addi %mul3A_698, %add3A_699 : i32
      %multiple_of3A_701 = tpu.assume_multiple %add3A_700, 104 : i32
      %dma_start3A_702 = arith.constant 0 : i32
      %dma_start3A_703 = arith.constant 0 : i32
      %dma_start3A_704 = arith.constant 0 : i32
      %dma_start3A_705 = tpu.memref_slice %arg6[%dma_start3A_702, %dma_start3A_703, %dma_start3A_704] : memref<4x208x128xf32, #tpu.memory_space<vmem>> -> memref<1x104x128xf32, #tpu.memory_space<vmem>>
      %dma_start3A_706 = tpu.memref_squeeze %dma_start3A_705 : memref<1x104x128xf32, #tpu.memory_space<vmem>> -> memref<104x128xf32, #tpu.memory_space<vmem>>
      %dma_start3A_707 = tpu.memref_slice %arg5[%multiple_of3A_701] : memref<13312xi32, #tpu.memory_space<vmem>> -> memref<104xi32, #tpu.memory_space<vmem>>
      %dma_start3A_708 = arith.constant 0 : i32
      %dma_start3A_709 = arith.constant 0 : i32
      %dma_start3A_710 = tpu.memref_slice %arg2[%dma_start3A_708, %dma_start3A_709] : memref<100000x128xf32, #tpu.memory_space<hbm>> -> memref<100000x128xf32, #tpu.memory_space<hbm>>
      tpu.enqueue_indirect_dma source(%dma_start3A_710 : memref<100000x128xf32, #tpu.memory_space<hbm>>) target(%dma_start3A_706 : memref<104x128xf32, #tpu.memory_space<vmem>>) offsets(%dma_start3A_707 : memref<104xi32, #tpu.memory_space<vmem>>) semaphore(%arg7 : memref<!tpu.dma_semaphore, #tpu.memory_space<semaphore_mem>>)
      %mul3A_711 = arith.constant 208 : i32
      %mul3A_712 = arith.muli %add3A_696, %mul3A_711 : i32
      %add3A_713 = arith.constant 104 : i32
      %add3A_714 = arith.addi %mul3A_712, %add3A_713 : i32
      %multiple_of3A_715 = tpu.assume_multiple %add3A_714, 104 : i32
      %dma_start3A_716 = arith.constant 0 : i32
      %dma_start3A_717 = arith.constant 104 : i32
      %dma_start3A_718 = arith.constant 0 : i32
      %dma_start3A_719 = tpu.memref_slice %arg6[%dma_start3A_716, %dma_start3A_717, %dma_start3A_718] : memref<4x208x128xf32, #tpu.memory_space<vmem>> -> memref<1x104x128xf32, #tpu.memory_space<vmem>>
      %dma_start3A_720 = tpu.memref_squeeze %dma_start3A_719 : memref<1x104x128xf32, #tpu.memory_space<vmem>> -> memref<104x128xf32, #tpu.memory_space<vmem>>
      %dma_start3A_721 = tpu.memref_slice %arg5[%multiple_of3A_715] : memref<13312xi32, #tpu.memory_space<vmem>> -> memref<104xi32, #tpu.memory_space<vmem>>
      %dma_start3A_722 = arith.constant 0 : i32
      %dma_start3A_723 = arith.constant 0 : i32
      %dma_start3A_724 = tpu.memref_slice %arg2[%dma_start3A_722, %dma_start3A_723] : memref<100000x128xf32, #tpu.memory_space<hbm>> -> memref<100000x128xf32, #tpu.memory_space<hbm>>
      tpu.enqueue_indirect_dma source(%dma_start3A_724 : memref<100000x128xf32, #tpu.memory_space<hbm>>) target(%dma_start3A_720 : memref<104x128xf32, #tpu.memory_space<vmem>>) offsets(%dma_start3A_721 : memref<104xi32, #tpu.memory_space<vmem>>) semaphore(%arg7 : memref<!tpu.dma_semaphore, #tpu.memory_space<semaphore_mem>>)
      %dma_wait3A_725 = arith.constant 2 : i32
      %dma_wait3A_726 = arith.constant 0 : i32
      %dma_wait3A_727 = arith.constant 0 : i32
      %dma_wait3A_728 = tpu.memref_slice %arg6[%dma_wait3A_725, %dma_wait3A_726, %dma_wait3A_727] : memref<4x208x128xf32, #tpu.memory_space<vmem>> -> memref<1x208x128xf32, #tpu.memory_space<vmem>>
      %dma_wait3A_729 = tpu.memref_squeeze %dma_wait3A_728 : memref<1x208x128xf32, #tpu.memory_space<vmem>> -> memref<208x128xf32, #tpu.memory_space<vmem>>
      %dma_wait3A_730 = arith.constant 0 : i32
      %dma_wait3A_731 = arith.constant 0 : i32
      %dma_wait3A_732 = tpu.memref_slice %arg2[%dma_wait3A_730, %dma_wait3A_731] : memref<100000x128xf32, #tpu.memory_space<hbm>> -> memref<208x128xf32, #tpu.memory_space<hbm>>
      %dma_wait3A_733 = arith.constant 0 : i32
      %dma_wait3A_734 = arith.constant 0 : i32
      %dma_wait3A_735 = tpu.memref_slice %arg6[%dma_wait3A_725, %dma_wait3A_733, %dma_wait3A_734] : memref<4x208x128xf32, #tpu.memory_space<vmem>> -> memref<1x208x128xf32, #tpu.memory_space<vmem>>
      %dma_wait3A_736 = tpu.memref_squeeze %dma_wait3A_735 : memref<1x208x128xf32, #tpu.memory_space<vmem>> -> memref<208x128xf32, #tpu.memory_space<vmem>>
      %dma_wait3A_737 = arith.constant 0 : i32
      %dma_wait3A_738 = arith.constant 0 : i32
      %dma_wait3A_739 = tpu.memref_slice %arg2[%dma_wait3A_737, %dma_wait3A_738] : memref<100000x128xf32, #tpu.memory_space<hbm>> -> memref<208x128xf32, #tpu.memory_space<hbm>>
      tpu.wait_dma2 semaphore(%arg9 : memref<!tpu.dma_semaphore, #tpu.memory_space<semaphore_mem>>) src(%dma_wait3A_739 : memref<208x128xf32, #tpu.memory_space<hbm>>) dst(%dma_wait3A_736 : memref<208x128xf32, #tpu.memory_space<vmem>>)
      %mul3A_740 = arith.constant 208 : i32
      %mul3A_741 = arith.muli %add3A_681, %mul3A_740 : i32
      %add3A_742 = arith.addi %mul3A_2, %mul3A_741 : i32
      %dma_start3A_743 = arith.constant 2 : i32
      %dma_start3A_744 = arith.constant 0 : i32
      %dma_start3A_745 = arith.constant 0 : i32
      %dma_start3A_746 = tpu.memref_slice %arg6[%dma_start3A_743, %dma_start3A_744, %dma_start3A_745] : memref<4x208x128xf32, #tpu.memory_space<vmem>> -> memref<1x208x128xf32, #tpu.memory_space<vmem>>
      %dma_start3A_747 = tpu.memref_squeeze %dma_start3A_746 : memref<1x208x128xf32, #tpu.memory_space<vmem>> -> memref<208x128xf32, #tpu.memory_space<vmem>>
      %dma_start3A_748 = arith.constant 0 : i32
      %dma_start3A_749 = tpu.memref_slice %arg4[%add3A_742, %dma_start3A_748] : memref<425984x128xf32, #tpu.memory_space<hbm>> -> memref<208x128xf32, #tpu.memory_space<hbm>>
      %dma_start3A_750 = arith.constant 0 : i32
      %dma_start3A_751 = tpu.memref_slice %arg4[%add3A_742, %dma_start3A_750] : memref<425984x128xf32, #tpu.memory_space<hbm>> -> memref<208x128xf32, #tpu.memory_space<hbm>>
      %dma_start3A_752 = arith.constant 0 : i32
      %dma_start3A_753 = arith.constant 0 : i32
      %dma_start3A_754 = tpu.memref_slice %arg6[%dma_start3A_743, %dma_start3A_752, %dma_start3A_753] : memref<4x208x128xf32, #tpu.memory_space<vmem>> -> memref<1x208x128xf32, #tpu.memory_space<vmem>>
      %dma_start3A_755 = tpu.memref_squeeze %dma_start3A_754 : memref<1x208x128xf32, #tpu.memory_space<vmem>> -> memref<208x128xf32, #tpu.memory_space<vmem>>
      tpu.enqueue_dma source(%dma_start3A_755 : memref<208x128xf32, #tpu.memory_space<vmem>>) target(%dma_start3A_751 : memref<208x128xf32, #tpu.memory_space<hbm>>) target_semaphore(%arg13 : memref<!tpu.dma_semaphore, #tpu.memory_space<semaphore_mem>>)
      %add3A_756 = arith.constant 3 : i32
      %add3A_757 = arith.addi %mul3A_527, %add3A_756 : i32
      %dma_wait3A_758 = arith.constant 1 : i32
      %dma_wait3A_759 = arith.constant 0 : i32
      %dma_wait3A_760 = arith.constant 0 : i32
      %dma_wait3A_761 = tpu.memref_slice %arg6[%dma_wait3A_758, %dma_wait3A_759, %dma_wait3A_760] : memref<4x208x128xf32, #tpu.memory_space<vmem>> -> memref<1x208x128xf32, #tpu.memory_space<vmem>>
      %dma_wait3A_762 = tpu.memref_squeeze %dma_wait3A_761 : memref<1x208x128xf32, #tpu.memory_space<vmem>> -> memref<208x128xf32, #tpu.memory_space<vmem>>
      %dma_wait3A_763 = arith.constant 0 : i32
      %dma_wait3A_764 = tpu.memref_slice %arg4[%mul3A_2, %dma_wait3A_763] : memref<425984x128xf32, #tpu.memory_space<hbm>> -> memref<208x128xf32, #tpu.memory_space<hbm>>
      %dma_wait3A_765 = arith.constant 0 : i32
      %dma_wait3A_766 = tpu.memref_slice %arg4[%mul3A_2, %dma_wait3A_765] : memref<425984x128xf32, #tpu.memory_space<hbm>> -> memref<208x128xf32, #tpu.memory_space<hbm>>
      %dma_wait3A_767 = arith.constant 0 : i32
      %dma_wait3A_768 = arith.constant 0 : i32
      %dma_wait3A_769 = tpu.memref_slice %arg6[%dma_wait3A_758, %dma_wait3A_767, %dma_wait3A_768] : memref<4x208x128xf32, #tpu.memory_space<vmem>> -> memref<1x208x128xf32, #tpu.memory_space<vmem>>
      %dma_wait3A_770 = tpu.memref_squeeze %dma_wait3A_769 : memref<1x208x128xf32, #tpu.memory_space<vmem>> -> memref<208x128xf32, #tpu.memory_space<vmem>>
      tpu.wait_dma2 semaphore(%arg12 : memref<!tpu.dma_semaphore, #tpu.memory_space<semaphore_mem>>) src(%dma_wait3A_770 : memref<208x128xf32, #tpu.memory_space<vmem>>) dst(%dma_wait3A_766 : memref<208x128xf32, #tpu.memory_space<hbm>>)
      %add3A_771 = arith.constant 2 : i32
      %add3A_772 = arith.addi %add3A_757, %add3A_771 : i32
      %mul3A_773 = arith.constant 208 : i32
      %mul3A_774 = arith.muli %add3A_772, %mul3A_773 : i32
      %add3A_775 = arith.constant 0 : i32
      %add3A_776 = arith.addi %mul3A_774, %add3A_775 : i32
      %multiple_of3A_777 = tpu.assume_multiple %add3A_776, 104 : i32
      %dma_start3A_778 = arith.constant 1 : i32
      %dma_start3A_779 = arith.constant 0 : i32
      %dma_start3A_780 = arith.constant 0 : i32
      %dma_start3A_781 = tpu.memref_slice %arg6[%dma_start3A_778, %dma_start3A_779, %dma_start3A_780] : memref<4x208x128xf32, #tpu.memory_space<vmem>> -> memref<1x104x128xf32, #tpu.memory_space<vmem>>
      %dma_start3A_782 = tpu.memref_squeeze %dma_start3A_781 : memref<1x104x128xf32, #tpu.memory_space<vmem>> -> memref<104x128xf32, #tpu.memory_space<vmem>>
      %dma_start3A_783 = tpu.memref_slice %arg5[%multiple_of3A_777] : memref<13312xi32, #tpu.memory_space<vmem>> -> memref<104xi32, #tpu.memory_space<vmem>>
      %dma_start3A_784 = arith.constant 0 : i32
      %dma_start3A_785 = arith.constant 0 : i32
      %dma_start3A_786 = tpu.memref_slice %arg2[%dma_start3A_784, %dma_start3A_785] : memref<100000x128xf32, #tpu.memory_space<hbm>> -> memref<100000x128xf32, #tpu.memory_space<hbm>>
      tpu.enqueue_indirect_dma source(%dma_start3A_786 : memref<100000x128xf32, #tpu.memory_space<hbm>>) target(%dma_start3A_782 : memref<104x128xf32, #tpu.memory_space<vmem>>) offsets(%dma_start3A_783 : memref<104xi32, #tpu.memory_space<vmem>>) semaphore(%arg8 : memref<!tpu.dma_semaphore, #tpu.memory_space<semaphore_mem>>)
      %mul3A_787 = arith.constant 208 : i32
      %mul3A_788 = arith.muli %add3A_772, %mul3A_787 : i32
      %add3A_789 = arith.constant 104 : i32
      %add3A_790 = arith.addi %mul3A_788, %add3A_789 : i32
      %multiple_of3A_791 = tpu.assume_multiple %add3A_790, 104 : i32
      %dma_start3A_792 = arith.constant 1 : i32
      %dma_start3A_793 = arith.constant 104 : i32
      %dma_start3A_794 = arith.constant 0 : i32
      %dma_start3A_795 = tpu.memref_slice %arg6[%dma_start3A_792, %dma_start3A_793, %dma_start3A_794] : memref<4x208x128xf32, #tpu.memory_space<vmem>> -> memref<1x104x128xf32, #tpu.memory_space<vmem>>
      %dma_start3A_796 = tpu.memref_squeeze %dma_start3A_795 : memref<1x104x128xf32, #tpu.memory_space<vmem>> -> memref<104x128xf32, #tpu.memory_space<vmem>>
      %dma_start3A_797 = tpu.memref_slice %arg5[%multiple_of3A_791] : memref<13312xi32, #tpu.memory_space<vmem>> -> memref<104xi32, #tpu.memory_space<vmem>>
      %dma_start3A_798 = arith.constant 0 : i32
      %dma_start3A_799 = arith.constant 0 : i32
      %dma_start3A_800 = tpu.memref_slice %arg2[%dma_start3A_798, %dma_start3A_799] : memref<100000x128xf32, #tpu.memory_space<hbm>> -> memref<100000x128xf32, #tpu.memory_space<hbm>>
      tpu.enqueue_indirect_dma source(%dma_start3A_800 : memref<100000x128xf32, #tpu.memory_space<hbm>>) target(%dma_start3A_796 : memref<104x128xf32, #tpu.memory_space<vmem>>) offsets(%dma_start3A_797 : memref<104xi32, #tpu.memory_space<vmem>>) semaphore(%arg8 : memref<!tpu.dma_semaphore, #tpu.memory_space<semaphore_mem>>)
      %dma_wait3A_801 = arith.constant 3 : i32
      %dma_wait3A_802 = arith.constant 0 : i32
      %dma_wait3A_803 = arith.constant 0 : i32
      %dma_wait3A_804 = tpu.memref_slice %arg6[%dma_wait3A_801, %dma_wait3A_802, %dma_wait3A_803] : memref<4x208x128xf32, #tpu.memory_space<vmem>> -> memref<1x208x128xf32, #tpu.memory_space<vmem>>
      %dma_wait3A_805 = tpu.memref_squeeze %dma_wait3A_804 : memref<1x208x128xf32, #tpu.memory_space<vmem>> -> memref<208x128xf32, #tpu.memory_space<vmem>>
      %dma_wait3A_806 = arith.constant 0 : i32
      %dma_wait3A_807 = arith.constant 0 : i32
      %dma_wait3A_808 = tpu.memref_slice %arg2[%dma_wait3A_806, %dma_wait3A_807] : memref<100000x128xf32, #tpu.memory_space<hbm>> -> memref<208x128xf32, #tpu.memory_space<hbm>>
      %dma_wait3A_809 = arith.constant 0 : i32
      %dma_wait3A_810 = arith.constant 0 : i32
      %dma_wait3A_811 = tpu.memref_slice %arg6[%dma_wait3A_801, %dma_wait3A_809, %dma_wait3A_810] : memref<4x208x128xf32, #tpu.memory_space<vmem>> -> memref<1x208x128xf32, #tpu.memory_space<vmem>>
      %dma_wait3A_812 = tpu.memref_squeeze %dma_wait3A_811 : memref<1x208x128xf32, #tpu.memory_space<vmem>> -> memref<208x128xf32, #tpu.memory_space<vmem>>
      %dma_wait3A_813 = arith.constant 0 : i32
      %dma_wait3A_814 = arith.constant 0 : i32
      %dma_wait3A_815 = tpu.memref_slice %arg2[%dma_wait3A_813, %dma_wait3A_814] : memref<100000x128xf32, #tpu.memory_space<hbm>> -> memref<208x128xf32, #tpu.memory_space<hbm>>
      tpu.wait_dma2 semaphore(%arg10 : memref<!tpu.dma_semaphore, #tpu.memory_space<semaphore_mem>>) src(%dma_wait3A_815 : memref<208x128xf32, #tpu.memory_space<hbm>>) dst(%dma_wait3A_812 : memref<208x128xf32, #tpu.memory_space<vmem>>)
      %mul3A_816 = arith.constant 208 : i32
      %mul3A_817 = arith.muli %add3A_757, %mul3A_816 : i32
      %add3A_818 = arith.addi %mul3A_2, %mul3A_817 : i32
      %dma_start3A_819 = arith.constant 3 : i32
      %dma_start3A_820 = arith.constant 0 : i32
      %dma_start3A_821 = arith.constant 0 : i32
      %dma_start3A_822 = tpu.memref_slice %arg6[%dma_start3A_819, %dma_start3A_820, %dma_start3A_821] : memref<4x208x128xf32, #tpu.memory_space<vmem>> -> memref<1x208x128xf32, #tpu.memory_space<vmem>>
      %dma_start3A_823 = tpu.memref_squeeze %dma_start3A_822 : memref<1x208x128xf32, #tpu.memory_space<vmem>> -> memref<208x128xf32, #tpu.memory_space<vmem>>
      %dma_start3A_824 = arith.constant 0 : i32
      %dma_start3A_825 = tpu.memref_slice %arg4[%add3A_818, %dma_start3A_824] : memref<425984x128xf32, #tpu.memory_space<hbm>> -> memref<208x128xf32, #tpu.memory_space<hbm>>
      %dma_start3A_826 = arith.constant 0 : i32
      %dma_start3A_827 = tpu.memref_slice %arg4[%add3A_818, %dma_start3A_826] : memref<425984x128xf32, #tpu.memory_space<hbm>> -> memref<208x128xf32, #tpu.memory_space<hbm>>
      %dma_start3A_828 = arith.constant 0 : i32
      %dma_start3A_829 = arith.constant 0 : i32
      %dma_start3A_830 = tpu.memref_slice %arg6[%dma_start3A_819, %dma_start3A_828, %dma_start3A_829] : memref<4x208x128xf32, #tpu.memory_space<vmem>> -> memref<1x208x128xf32, #tpu.memory_space<vmem>>
      %dma_start3A_831 = tpu.memref_squeeze %dma_start3A_830 : memref<1x208x128xf32, #tpu.memory_space<vmem>> -> memref<208x128xf32, #tpu.memory_space<vmem>>
      tpu.enqueue_dma source(%dma_start3A_831 : memref<208x128xf32, #tpu.memory_space<vmem>>) target(%dma_start3A_827 : memref<208x128xf32, #tpu.memory_space<hbm>>) target_semaphore(%arg14 : memref<!tpu.dma_semaphore, #tpu.memory_space<semaphore_mem>>)
    }
    %scan3A_282 = arith.constant 14 : i32
    %dma_wait3A_283 = arith.constant 2 : i32
    %dma_wait3A_284 = arith.constant 0 : i32
    %dma_wait3A_285 = arith.constant 0 : i32
    %dma_wait3A_286 = tpu.memref_slice %arg6[%dma_wait3A_283, %dma_wait3A_284, %dma_wait3A_285] : memref<4x208x128xf32, #tpu.memory_space<vmem>> -> memref<1x208x128xf32, #tpu.memory_space<vmem>>
    %dma_wait3A_287 = tpu.memref_squeeze %dma_wait3A_286 : memref<1x208x128xf32, #tpu.memory_space<vmem>> -> memref<208x128xf32, #tpu.memory_space<vmem>>
    %dma_wait3A_288 = arith.constant 0 : i32
    %dma_wait3A_289 = tpu.memref_slice %arg4[%mul3A_2, %dma_wait3A_288] : memref<425984x128xf32, #tpu.memory_space<hbm>> -> memref<208x128xf32, #tpu.memory_space<hbm>>
    %dma_wait3A_290 = arith.constant 0 : i32
    %dma_wait3A_291 = tpu.memref_slice %arg4[%mul3A_2, %dma_wait3A_290] : memref<425984x128xf32, #tpu.memory_space<hbm>> -> memref<208x128xf32, #tpu.memory_space<hbm>>
    %dma_wait3A_292 = arith.constant 0 : i32
    %dma_wait3A_293 = arith.constant 0 : i32
    %dma_wait3A_294 = tpu.memref_slice %arg6[%dma_wait3A_283, %dma_wait3A_292, %dma_wait3A_293] : memref<4x208x128xf32, #tpu.memory_space<vmem>> -> memref<1x208x128xf32, #tpu.memory_space<vmem>>
    %dma_wait3A_295 = tpu.memref_squeeze %dma_wait3A_294 : memref<1x208x128xf32, #tpu.memory_space<vmem>> -> memref<208x128xf32, #tpu.memory_space<vmem>>
    tpu.wait_dma2 semaphore(%arg13 : memref<!tpu.dma_semaphore, #tpu.memory_space<semaphore_mem>>) src(%dma_wait3A_295 : memref<208x128xf32, #tpu.memory_space<vmem>>) dst(%dma_wait3A_291 : memref<208x128xf32, #tpu.memory_space<hbm>>)
    %multiple_of3A_296 = arith.constant 12896 : i32
    %multiple_of3A_297 = tpu.assume_multiple %multiple_of3A_296, 104 : i32
    %dma_start3A_298 = arith.constant 2 : i32
    %dma_start3A_299 = arith.constant 0 : i32
    %dma_start3A_300 = arith.constant 0 : i32
    %dma_start3A_301 = tpu.memref_slice %arg6[%dma_start3A_298, %dma_start3A_299, %dma_start3A_300] : memref<4x208x128xf32, #tpu.memory_space<vmem>> -> memref<1x104x128xf32, #tpu.memory_space<vmem>>
    %dma_start3A_302 = tpu.memref_squeeze %dma_start3A_301 : memref<1x104x128xf32, #tpu.memory_space<vmem>> -> memref<104x128xf32, #tpu.memory_space<vmem>>
    %dma_start3A_303 = tpu.memref_slice %arg5[%multiple_of3A_297] : memref<13312xi32, #tpu.memory_space<vmem>> -> memref<104xi32, #tpu.memory_space<vmem>>
    %dma_start3A_304 = arith.constant 0 : i32
    %dma_start3A_305 = arith.constant 0 : i32
    %dma_start3A_306 = tpu.memref_slice %arg2[%dma_start3A_304, %dma_start3A_305] : memref<100000x128xf32, #tpu.memory_space<hbm>> -> memref<100000x128xf32, #tpu.memory_space<hbm>>
    tpu.enqueue_indirect_dma source(%dma_start3A_306 : memref<100000x128xf32, #tpu.memory_space<hbm>>) target(%dma_start3A_302 : memref<104x128xf32, #tpu.memory_space<vmem>>) offsets(%dma_start3A_303 : memref<104xi32, #tpu.memory_space<vmem>>) semaphore(%arg9 : memref<!tpu.dma_semaphore, #tpu.memory_space<semaphore_mem>>)
    %multiple_of3A_307 = arith.constant 13000 : i32
    %multiple_of3A_308 = tpu.assume_multiple %multiple_of3A_307, 104 : i32
    %dma_start3A_309 = arith.constant 2 : i32
    %dma_start3A_310 = arith.constant 104 : i32
    %dma_start3A_311 = arith.constant 0 : i32
    %dma_start3A_312 = tpu.memref_slice %arg6[%dma_start3A_309, %dma_start3A_310, %dma_start3A_311] : memref<4x208x128xf32, #tpu.memory_space<vmem>> -> memref<1x104x128xf32, #tpu.memory_space<vmem>>
    %dma_start3A_313 = tpu.memref_squeeze %dma_start3A_312 : memref<1x104x128xf32, #tpu.memory_space<vmem>> -> memref<104x128xf32, #tpu.memory_space<vmem>>
    %dma_start3A_314 = tpu.memref_slice %arg5[%multiple_of3A_308] : memref<13312xi32, #tpu.memory_space<vmem>> -> memref<104xi32, #tpu.memory_space<vmem>>
    %dma_start3A_315 = arith.constant 0 : i32
    %dma_start3A_316 = arith.constant 0 : i32
    %dma_start3A_317 = tpu.memref_slice %arg2[%dma_start3A_315, %dma_start3A_316] : memref<100000x128xf32, #tpu.memory_space<hbm>> -> memref<100000x128xf32, #tpu.memory_space<hbm>>
    tpu.enqueue_indirect_dma source(%dma_start3A_317 : memref<100000x128xf32, #tpu.memory_space<hbm>>) target(%dma_start3A_313 : memref<104x128xf32, #tpu.memory_space<vmem>>) offsets(%dma_start3A_314 : memref<104xi32, #tpu.memory_space<vmem>>) semaphore(%arg9 : memref<!tpu.dma_semaphore, #tpu.memory_space<semaphore_mem>>)
    %dma_wait3A_318 = arith.constant 0 : i32
    %dma_wait3A_319 = arith.constant 0 : i32
    %dma_wait3A_320 = arith.constant 0 : i32
    %dma_wait3A_321 = tpu.memref_slice %arg6[%dma_wait3A_318, %dma_wait3A_319, %dma_wait3A_320] : memref<4x208x128xf32, #tpu.memory_space<vmem>> -> memref<1x208x128xf32, #tpu.memory_space<vmem>>
    %dma_wait3A_322 = tpu.memref_squeeze %dma_wait3A_321 : memref<1x208x128xf32, #tpu.memory_space<vmem>> -> memref<208x128xf32, #tpu.memory_space<vmem>>
    %dma_wait3A_323 = arith.constant 0 : i32
    %dma_wait3A_324 = arith.constant 0 : i32
    %dma_wait3A_325 = tpu.memref_slice %arg2[%dma_wait3A_323, %dma_wait3A_324] : memref<100000x128xf32, #tpu.memory_space<hbm>> -> memref<208x128xf32, #tpu.memory_space<hbm>>
    %dma_wait3A_326 = arith.constant 0 : i32
    %dma_wait3A_327 = arith.constant 0 : i32
    %dma_wait3A_328 = tpu.memref_slice %arg6[%dma_wait3A_318, %dma_wait3A_326, %dma_wait3A_327] : memref<4x208x128xf32, #tpu.memory_space<vmem>> -> memref<1x208x128xf32, #tpu.memory_space<vmem>>
    %dma_wait3A_329 = tpu.memref_squeeze %dma_wait3A_328 : memref<1x208x128xf32, #tpu.memory_space<vmem>> -> memref<208x128xf32, #tpu.memory_space<vmem>>
    %dma_wait3A_330 = arith.constant 0 : i32
    %dma_wait3A_331 = arith.constant 0 : i32
    %dma_wait3A_332 = tpu.memref_slice %arg2[%dma_wait3A_330, %dma_wait3A_331] : memref<100000x128xf32, #tpu.memory_space<hbm>> -> memref<208x128xf32, #tpu.memory_space<hbm>>
    tpu.wait_dma2 semaphore(%arg7 : memref<!tpu.dma_semaphore, #tpu.memory_space<semaphore_mem>>) src(%dma_wait3A_332 : memref<208x128xf32, #tpu.memory_space<hbm>>) dst(%dma_wait3A_329 : memref<208x128xf32, #tpu.memory_space<vmem>>)
    %add3A_333 = arith.constant 12480 : i32
    %add3A_334 = arith.addi %mul3A_2, %add3A_333 : i32
    %dma_start3A_335 = arith.constant 0 : i32
    %dma_start3A_336 = arith.constant 0 : i32
    %dma_start3A_337 = arith.constant 0 : i32
    %dma_start3A_338 = tpu.memref_slice %arg6[%dma_start3A_335, %dma_start3A_336, %dma_start3A_337] : memref<4x208x128xf32, #tpu.memory_space<vmem>> -> memref<1x208x128xf32, #tpu.memory_space<vmem>>
    %dma_start3A_339 = tpu.memref_squeeze %dma_start3A_338 : memref<1x208x128xf32, #tpu.memory_space<vmem>> -> memref<208x128xf32, #tpu.memory_space<vmem>>
    %dma_start3A_340 = arith.constant 0 : i32
    %dma_start3A_341 = tpu.memref_slice %arg4[%add3A_334, %dma_start3A_340] : memref<425984x128xf32, #tpu.memory_space<hbm>> -> memref<208x128xf32, #tpu.memory_space<hbm>>
    %dma_start3A_342 = arith.constant 0 : i32
    %dma_start3A_343 = tpu.memref_slice %arg4[%add3A_334, %dma_start3A_342] : memref<425984x128xf32, #tpu.memory_space<hbm>> -> memref<208x128xf32, #tpu.memory_space<hbm>>
    %dma_start3A_344 = arith.constant 0 : i32
    %dma_start3A_345 = arith.constant 0 : i32
    %dma_start3A_346 = tpu.memref_slice %arg6[%dma_start3A_335, %dma_start3A_344, %dma_start3A_345] : memref<4x208x128xf32, #tpu.memory_space<vmem>> -> memref<1x208x128xf32, #tpu.memory_space<vmem>>
    %dma_start3A_347 = tpu.memref_squeeze %dma_start3A_346 : memref<1x208x128xf32, #tpu.memory_space<vmem>> -> memref<208x128xf32, #tpu.memory_space<vmem>>
    tpu.enqueue_dma source(%dma_start3A_347 : memref<208x128xf32, #tpu.memory_space<vmem>>) target(%dma_start3A_343 : memref<208x128xf32, #tpu.memory_space<hbm>>) target_semaphore(%arg11 : memref<!tpu.dma_semaphore, #tpu.memory_space<semaphore_mem>>)
    %dma_wait3A_348 = arith.constant 3 : i32
    %dma_wait3A_349 = arith.constant 0 : i32
    %dma_wait3A_350 = arith.constant 0 : i32
    %dma_wait3A_351 = tpu.memref_slice %arg6[%dma_wait3A_348, %dma_wait3A_349, %dma_wait3A_350] : memref<4x208x128xf32, #tpu.memory_space<vmem>> -> memref<1x208x128xf32, #tpu.memory_space<vmem>>
    %dma_wait3A_352 = tpu.memref_squeeze %dma_wait3A_351 : memref<1x208x128xf32, #tpu.memory_space<vmem>> -> memref<208x128xf32, #tpu.memory_space<vmem>>
    %dma_wait3A_353 = arith.constant 0 : i32
    %dma_wait3A_354 = tpu.memref_slice %arg4[%mul3A_2, %dma_wait3A_353] : memref<425984x128xf32, #tpu.memory_space<hbm>> -> memref<208x128xf32, #tpu.memory_space<hbm>>
    %dma_wait3A_355 = arith.constant 0 : i32
    %dma_wait3A_356 = tpu.memref_slice %arg4[%mul3A_2, %dma_wait3A_355] : memref<425984x128xf32, #tpu.memory_space<hbm>> -> memref<208x128xf32, #tpu.memory_space<hbm>>
    %dma_wait3A_357 = arith.constant 0 : i32
    %dma_wait3A_358 = arith.constant 0 : i32
    %dma_wait3A_359 = tpu.memref_slice %arg6[%dma_wait3A_348, %dma_wait3A_357, %dma_wait3A_358] : memref<4x208x128xf32, #tpu.memory_space<vmem>> -> memref<1x208x128xf32, #tpu.memory_space<vmem>>
    %dma_wait3A_360 = tpu.memref_squeeze %dma_wait3A_359 : memref<1x208x128xf32, #tpu.memory_space<vmem>> -> memref<208x128xf32, #tpu.memory_space<vmem>>
    tpu.wait_dma2 semaphore(%arg14 : memref<!tpu.dma_semaphore, #tpu.memory_space<semaphore_mem>>) src(%dma_wait3A_360 : memref<208x128xf32, #tpu.memory_space<vmem>>) dst(%dma_wait3A_356 : memref<208x128xf32, #tpu.memory_space<hbm>>)
    %multiple_of3A_361 = arith.constant 13104 : i32
    %multiple_of3A_362 = tpu.assume_multiple %multiple_of3A_361, 104 : i32
    %dma_start3A_363 = arith.constant 3 : i32
    %dma_start3A_364 = arith.constant 0 : i32
    %dma_start3A_365 = arith.constant 0 : i32
    %dma_start3A_366 = tpu.memref_slice %arg6[%dma_start3A_363, %dma_start3A_364, %dma_start3A_365] : memref<4x208x128xf32, #tpu.memory_space<vmem>> -> memref<1x104x128xf32, #tpu.memory_space<vmem>>
    %dma_start3A_367 = tpu.memref_squeeze %dma_start3A_366 : memref<1x104x128xf32, #tpu.memory_space<vmem>> -> memref<104x128xf32, #tpu.memory_space<vmem>>
    %dma_start3A_368 = tpu.memref_slice %arg5[%multiple_of3A_362] : memref<13312xi32, #tpu.memory_space<vmem>> -> memref<104xi32, #tpu.memory_space<vmem>>
    %dma_start3A_369 = arith.constant 0 : i32
    %dma_start3A_370 = arith.constant 0 : i32
    %dma_start3A_371 = tpu.memref_slice %arg2[%dma_start3A_369, %dma_start3A_370] : memref<100000x128xf32, #tpu.memory_space<hbm>> -> memref<100000x128xf32, #tpu.memory_space<hbm>>
    tpu.enqueue_indirect_dma source(%dma_start3A_371 : memref<100000x128xf32, #tpu.memory_space<hbm>>) target(%dma_start3A_367 : memref<104x128xf32, #tpu.memory_space<vmem>>) offsets(%dma_start3A_368 : memref<104xi32, #tpu.memory_space<vmem>>) semaphore(%arg10 : memref<!tpu.dma_semaphore, #tpu.memory_space<semaphore_mem>>)
    %multiple_of3A_372 = arith.constant 13208 : i32
    %multiple_of3A_373 = tpu.assume_multiple %multiple_of3A_372, 104 : i32
    %dma_start3A_374 = arith.constant 3 : i32
    %dma_start3A_375 = arith.constant 104 : i32
    %dma_start3A_376 = arith.constant 0 : i32
    %dma_start3A_377 = tpu.memref_slice %arg6[%dma_start3A_374, %dma_start3A_375, %dma_start3A_376] : memref<4x208x128xf32, #tpu.memory_space<vmem>> -> memref<1x104x128xf32, #tpu.memory_space<vmem>>
    %dma_start3A_378 = tpu.memref_squeeze %dma_start3A_377 : memref<1x104x128xf32, #tpu.memory_space<vmem>> -> memref<104x128xf32, #tpu.memory_space<vmem>>
    %dma_start3A_379 = tpu.memref_slice %arg5[%multiple_of3A_373] : memref<13312xi32, #tpu.memory_space<vmem>> -> memref<104xi32, #tpu.memory_space<vmem>>
    %dma_start3A_380 = arith.constant 0 : i32
    %dma_start3A_381 = arith.constant 0 : i32
    %dma_start3A_382 = tpu.memref_slice %arg2[%dma_start3A_380, %dma_start3A_381] : memref<100000x128xf32, #tpu.memory_space<hbm>> -> memref<100000x128xf32, #tpu.memory_space<hbm>>
    tpu.enqueue_indirect_dma source(%dma_start3A_382 : memref<100000x128xf32, #tpu.memory_space<hbm>>) target(%dma_start3A_378 : memref<104x128xf32, #tpu.memory_space<vmem>>) offsets(%dma_start3A_379 : memref<104xi32, #tpu.memory_space<vmem>>) semaphore(%arg10 : memref<!tpu.dma_semaphore, #tpu.memory_space<semaphore_mem>>)
    %dma_wait3A_383 = arith.constant 1 : i32
    %dma_wait3A_384 = arith.constant 0 : i32
    %dma_wait3A_385 = arith.constant 0 : i32
    %dma_wait3A_386 = tpu.memref_slice %arg6[%dma_wait3A_383, %dma_wait3A_384, %dma_wait3A_385] : memref<4x208x128xf32, #tpu.memory_space<vmem>> -> memref<1x208x128xf32, #tpu.memory_space<vmem>>
    %dma_wait3A_387 = tpu.memref_squeeze %dma_wait3A_386 : memref<1x208x128xf32, #tpu.memory_space<vmem>> -> memref<208x128xf32, #tpu.memory_space<vmem>>
    %dma_wait3A_388 = arith.constant 0 : i32
    %dma_wait3A_389 = arith.constant 0 : i32
    %dma_wait3A_390 = tpu.memref_slice %arg2[%dma_wait3A_388, %dma_wait3A_389] : memref<100000x128xf32, #tpu.memory_space<hbm>> -> memref<208x128xf32, #tpu.memory_space<hbm>>
    %dma_wait3A_391 = arith.constant 0 : i32
    %dma_wait3A_392 = arith.constant 0 : i32
    %dma_wait3A_393 = tpu.memref_slice %arg6[%dma_wait3A_383, %dma_wait3A_391, %dma_wait3A_392] : memref<4x208x128xf32, #tpu.memory_space<vmem>> -> memref<1x208x128xf32, #tpu.memory_space<vmem>>
    %dma_wait3A_394 = tpu.memref_squeeze %dma_wait3A_393 : memref<1x208x128xf32, #tpu.memory_space<vmem>> -> memref<208x128xf32, #tpu.memory_space<vmem>>
    %dma_wait3A_395 = arith.constant 0 : i32
    %dma_wait3A_396 = arith.constant 0 : i32
    %dma_wait3A_397 = tpu.memref_slice %arg2[%dma_wait3A_395, %dma_wait3A_396] : memref<100000x128xf32, #tpu.memory_space<hbm>> -> memref<208x128xf32, #tpu.memory_space<hbm>>
    tpu.wait_dma2 semaphore(%arg8 : memref<!tpu.dma_semaphore, #tpu.memory_space<semaphore_mem>>) src(%dma_wait3A_397 : memref<208x128xf32, #tpu.memory_space<hbm>>) dst(%dma_wait3A_394 : memref<208x128xf32, #tpu.memory_space<vmem>>)
    %add3A_398 = arith.constant 12688 : i32
    %add3A_399 = arith.addi %mul3A_2, %add3A_398 : i32
    %dma_start3A_400 = arith.constant 1 : i32
    %dma_start3A_401 = arith.constant 0 : i32
    %dma_start3A_402 = arith.constant 0 : i32
    %dma_start3A_403 = tpu.memref_slice %arg6[%dma_start3A_400, %dma_start3A_401, %dma_start3A_402] : memref<4x208x128xf32, #tpu.memory_space<vmem>> -> memref<1x208x128xf32, #tpu.memory_space<vmem>>
    %dma_start3A_404 = tpu.memref_squeeze %dma_start3A_403 : memref<1x208x128xf32, #tpu.memory_space<vmem>> -> memref<208x128xf32, #tpu.memory_space<vmem>>
    %dma_start3A_405 = arith.constant 0 : i32
    %dma_start3A_406 = tpu.memref_slice %arg4[%add3A_399, %dma_start3A_405] : memref<425984x128xf32, #tpu.memory_space<hbm>> -> memref<208x128xf32, #tpu.memory_space<hbm>>
    %dma_start3A_407 = arith.constant 0 : i32
    %dma_start3A_408 = tpu.memref_slice %arg4[%add3A_399, %dma_start3A_407] : memref<425984x128xf32, #tpu.memory_space<hbm>> -> memref<208x128xf32, #tpu.memory_space<hbm>>
    %dma_start3A_409 = arith.constant 0 : i32
    %dma_start3A_410 = arith.constant 0 : i32
    %dma_start3A_411 = tpu.memref_slice %arg6[%dma_start3A_400, %dma_start3A_409, %dma_start3A_410] : memref<4x208x128xf32, #tpu.memory_space<vmem>> -> memref<1x208x128xf32, #tpu.memory_space<vmem>>
    %dma_start3A_412 = tpu.memref_squeeze %dma_start3A_411 : memref<1x208x128xf32, #tpu.memory_space<vmem>> -> memref<208x128xf32, #tpu.memory_space<vmem>>
    tpu.enqueue_dma source(%dma_start3A_412 : memref<208x128xf32, #tpu.memory_space<vmem>>) target(%dma_start3A_408 : memref<208x128xf32, #tpu.memory_space<hbm>>) target_semaphore(%arg12 : memref<!tpu.dma_semaphore, #tpu.memory_space<semaphore_mem>>)
    %dma_wait3A_413 = arith.constant 2 : i32
    %dma_wait3A_414 = arith.constant 0 : i32
    %dma_wait3A_415 = arith.constant 0 : i32
    %dma_wait3A_416 = tpu.memref_slice %arg6[%dma_wait3A_413, %dma_wait3A_414, %dma_wait3A_415] : memref<4x208x128xf32, #tpu.memory_space<vmem>> -> memref<1x208x128xf32, #tpu.memory_space<vmem>>
    %dma_wait3A_417 = tpu.memref_squeeze %dma_wait3A_416 : memref<1x208x128xf32, #tpu.memory_space<vmem>> -> memref<208x128xf32, #tpu.memory_space<vmem>>
    %dma_wait3A_418 = arith.constant 0 : i32
    %dma_wait3A_419 = arith.constant 0 : i32
    %dma_wait3A_420 = tpu.memref_slice %arg2[%dma_wait3A_418, %dma_wait3A_419] : memref<100000x128xf32, #tpu.memory_space<hbm>> -> memref<208x128xf32, #tpu.memory_space<hbm>>
    %dma_wait3A_421 = arith.constant 0 : i32
    %dma_wait3A_422 = arith.constant 0 : i32
    %dma_wait3A_423 = tpu.memref_slice %arg6[%dma_wait3A_413, %dma_wait3A_421, %dma_wait3A_422] : memref<4x208x128xf32, #tpu.memory_space<vmem>> -> memref<1x208x128xf32, #tpu.memory_space<vmem>>
    %dma_wait3A_424 = tpu.memref_squeeze %dma_wait3A_423 : memref<1x208x128xf32, #tpu.memory_space<vmem>> -> memref<208x128xf32, #tpu.memory_space<vmem>>
    %dma_wait3A_425 = arith.constant 0 : i32
    %dma_wait3A_426 = arith.constant 0 : i32
    %dma_wait3A_427 = tpu.memref_slice %arg2[%dma_wait3A_425, %dma_wait3A_426] : memref<100000x128xf32, #tpu.memory_space<hbm>> -> memref<208x128xf32, #tpu.memory_space<hbm>>
    tpu.wait_dma2 semaphore(%arg9 : memref<!tpu.dma_semaphore, #tpu.memory_space<semaphore_mem>>) src(%dma_wait3A_427 : memref<208x128xf32, #tpu.memory_space<hbm>>) dst(%dma_wait3A_424 : memref<208x128xf32, #tpu.memory_space<vmem>>)
    %add3A_428 = arith.constant 12896 : i32
    %add3A_429 = arith.addi %mul3A_2, %add3A_428 : i32
    %dma_start3A_430 = arith.constant 2 : i32
    %dma_start3A_431 = arith.constant 0 : i32
    %dma_start3A_432 = arith.constant 0 : i32
    %dma_start3A_433 = tpu.memref_slice %arg6[%dma_start3A_430, %dma_start3A_431, %dma_start3A_432] : memref<4x208x128xf32, #tpu.memory_space<vmem>> -> memref<1x208x128xf32, #tpu.memory_space<vmem>>
    %dma_start3A_434 = tpu.memref_squeeze %dma_start3A_433 : memref<1x208x128xf32, #tpu.memory_space<vmem>> -> memref<208x128xf32, #tpu.memory_space<vmem>>
    %dma_start3A_435 = arith.constant 0 : i32
    %dma_start3A_436 = tpu.memref_slice %arg4[%add3A_429, %dma_start3A_435] : memref<425984x128xf32, #tpu.memory_space<hbm>> -> memref<208x128xf32, #tpu.memory_space<hbm>>
    %dma_start3A_437 = arith.constant 0 : i32
    %dma_start3A_438 = tpu.memref_slice %arg4[%add3A_429, %dma_start3A_437] : memref<425984x128xf32, #tpu.memory_space<hbm>> -> memref<208x128xf32, #tpu.memory_space<hbm>>
    %dma_start3A_439 = arith.constant 0 : i32
    %dma_start3A_440 = arith.constant 0 : i32
    %dma_start3A_441 = tpu.memref_slice %arg6[%dma_start3A_430, %dma_start3A_439, %dma_start3A_440] : memref<4x208x128xf32, #tpu.memory_space<vmem>> -> memref<1x208x128xf32, #tpu.memory_space<vmem>>
    %dma_start3A_442 = tpu.memref_squeeze %dma_start3A_441 : memref<1x208x128xf32, #tpu.memory_space<vmem>> -> memref<208x128xf32, #tpu.memory_space<vmem>>
    tpu.enqueue_dma source(%dma_start3A_442 : memref<208x128xf32, #tpu.memory_space<vmem>>) target(%dma_start3A_438 : memref<208x128xf32, #tpu.memory_space<hbm>>) target_semaphore(%arg13 : memref<!tpu.dma_semaphore, #tpu.memory_space<semaphore_mem>>)
    %dma_wait3A_443 = arith.constant 3 : i32
    %dma_wait3A_444 = arith.constant 0 : i32
    %dma_wait3A_445 = arith.constant 0 : i32
    %dma_wait3A_446 = tpu.memref_slice %arg6[%dma_wait3A_443, %dma_wait3A_444, %dma_wait3A_445] : memref<4x208x128xf32, #tpu.memory_space<vmem>> -> memref<1x208x128xf32, #tpu.memory_space<vmem>>
    %dma_wait3A_447 = tpu.memref_squeeze %dma_wait3A_446 : memref<1x208x128xf32, #tpu.memory_space<vmem>> -> memref<208x128xf32, #tpu.memory_space<vmem>>
    %dma_wait3A_448 = arith.constant 0 : i32
    %dma_wait3A_449 = arith.constant 0 : i32
    %dma_wait3A_450 = tpu.memref_slice %arg2[%dma_wait3A_448, %dma_wait3A_449] : memref<100000x128xf32, #tpu.memory_space<hbm>> -> memref<208x128xf32, #tpu.memory_space<hbm>>
    %dma_wait3A_451 = arith.constant 0 : i32
    %dma_wait3A_452 = arith.constant 0 : i32
    %dma_wait3A_453 = tpu.memref_slice %arg6[%dma_wait3A_443, %dma_wait3A_451, %dma_wait3A_452] : memref<4x208x128xf32, #tpu.memory_space<vmem>> -> memref<1x208x128xf32, #tpu.memory_space<vmem>>
    %dma_wait3A_454 = tpu.memref_squeeze %dma_wait3A_453 : memref<1x208x128xf32, #tpu.memory_space<vmem>> -> memref<208x128xf32, #tpu.memory_space<vmem>>
    %dma_wait3A_455 = arith.constant 0 : i32
    %dma_wait3A_456 = arith.constant 0 : i32
    %dma_wait3A_457 = tpu.memref_slice %arg2[%dma_wait3A_455, %dma_wait3A_456] : memref<100000x128xf32, #tpu.memory_space<hbm>> -> memref<208x128xf32, #tpu.memory_space<hbm>>
    tpu.wait_dma2 semaphore(%arg10 : memref<!tpu.dma_semaphore, #tpu.memory_space<semaphore_mem>>) src(%dma_wait3A_457 : memref<208x128xf32, #tpu.memory_space<hbm>>) dst(%dma_wait3A_454 : memref<208x128xf32, #tpu.memory_space<vmem>>)
    %add3A_458 = arith.constant 13104 : i32
    %add3A_459 = arith.addi %mul3A_2, %add3A_458 : i32
    %dma_start3A_460 = arith.constant 3 : i32
    %dma_start3A_461 = arith.constant 0 : i32
    %dma_start3A_462 = arith.constant 0 : i32
    %dma_start3A_463 = tpu.memref_slice %arg6[%dma_start3A_460, %dma_start3A_461, %dma_start3A_462] : memref<4x208x128xf32, #tpu.memory_space<vmem>> -> memref<1x208x128xf32, #tpu.memory_space<vmem>>
    %dma_start3A_464 = tpu.memref_squeeze %dma_start3A_463 : memref<1x208x128xf32, #tpu.memory_space<vmem>> -> memref<208x128xf32, #tpu.memory_space<vmem>>
    %dma_start3A_465 = arith.constant 0 : i32
    %dma_start3A_466 = tpu.memref_slice %arg4[%add3A_459, %dma_start3A_465] : memref<425984x128xf32, #tpu.memory_space<hbm>> -> memref<208x128xf32, #tpu.memory_space<hbm>>
    %dma_start3A_467 = arith.constant 0 : i32
    %dma_start3A_468 = tpu.memref_slice %arg4[%add3A_459, %dma_start3A_467] : memref<425984x128xf32, #tpu.memory_space<hbm>> -> memref<208x128xf32, #tpu.memory_space<hbm>>
    %dma_start3A_469 = arith.constant 0 : i32
    %dma_start3A_470 = arith.constant 0 : i32
    %dma_start3A_471 = tpu.memref_slice %arg6[%dma_start3A_460, %dma_start3A_469, %dma_start3A_470] : memref<4x208x128xf32, #tpu.memory_space<vmem>> -> memref<1x208x128xf32, #tpu.memory_space<vmem>>
    %dma_start3A_472 = tpu.memref_squeeze %dma_start3A_471 : memref<1x208x128xf32, #tpu.memory_space<vmem>> -> memref<208x128xf32, #tpu.memory_space<vmem>>
    tpu.enqueue_dma source(%dma_start3A_472 : memref<208x128xf32, #tpu.memory_space<vmem>>) target(%dma_start3A_468 : memref<208x128xf32, #tpu.memory_space<hbm>>) target_semaphore(%arg14 : memref<!tpu.dma_semaphore, #tpu.memory_space<semaphore_mem>>)
    %dma_wait3A_473 = arith.constant 0 : i32
    %dma_wait3A_474 = arith.constant 0 : i32
    %dma_wait3A_475 = arith.constant 0 : i32
    %dma_wait3A_476 = tpu.memref_slice %arg6[%dma_wait3A_473, %dma_wait3A_474, %dma_wait3A_475] : memref<4x208x128xf32, #tpu.memory_space<vmem>> -> memref<1x208x128xf32, #tpu.memory_space<vmem>>
    %dma_wait3A_477 = tpu.memref_squeeze %dma_wait3A_476 : memref<1x208x128xf32, #tpu.memory_space<vmem>> -> memref<208x128xf32, #tpu.memory_space<vmem>>
    %dma_wait3A_478 = arith.constant 0 : i32
    %dma_wait3A_479 = tpu.memref_slice %arg4[%mul3A_2, %dma_wait3A_478] : memref<425984x128xf32, #tpu.memory_space<hbm>> -> memref<208x128xf32, #tpu.memory_space<hbm>>
    %dma_wait3A_480 = arith.constant 0 : i32
    %dma_wait3A_481 = tpu.memref_slice %arg4[%mul3A_2, %dma_wait3A_480] : memref<425984x128xf32, #tpu.memory_space<hbm>> -> memref<208x128xf32, #tpu.memory_space<hbm>>
    %dma_wait3A_482 = arith.constant 0 : i32
    %dma_wait3A_483 = arith.constant 0 : i32
    %dma_wait3A_484 = tpu.memref_slice %arg6[%dma_wait3A_473, %dma_wait3A_482, %dma_wait3A_483] : memref<4x208x128xf32, #tpu.memory_space<vmem>> -> memref<1x208x128xf32, #tpu.memory_space<vmem>>
    %dma_wait3A_485 = tpu.memref_squeeze %dma_wait3A_484 : memref<1x208x128xf32, #tpu.memory_space<vmem>> -> memref<208x128xf32, #tpu.memory_space<vmem>>
    tpu.wait_dma2 semaphore(%arg11 : memref<!tpu.dma_semaphore, #tpu.memory_space<semaphore_mem>>) src(%dma_wait3A_485 : memref<208x128xf32, #tpu.memory_space<vmem>>) dst(%dma_wait3A_481 : memref<208x128xf32, #tpu.memory_space<hbm>>)
    %dma_wait3A_486 = arith.constant 1 : i32
    %dma_wait3A_487 = arith.constant 0 : i32
    %dma_wait3A_488 = arith.constant 0 : i32
    %dma_wait3A_489 = tpu.memref_slice %arg6[%dma_wait3A_486, %dma_wait3A_487, %dma_wait3A_488] : memref<4x208x128xf32, #tpu.memory_space<vmem>> -> memref<1x208x128xf32, #tpu.memory_space<vmem>>
    %dma_wait3A_490 = tpu.memref_squeeze %dma_wait3A_489 : memref<1x208x128xf32, #tpu.memory_space<vmem>> -> memref<208x128xf32, #tpu.memory_space<vmem>>
    %dma_wait3A_491 = arith.constant 0 : i32
    %dma_wait3A_492 = tpu.memref_slice %arg4[%mul3A_2, %dma_wait3A_491] : memref<425984x128xf32, #tpu.memory_space<hbm>> -> memref<208x128xf32, #tpu.memory_space<hbm>>
    %dma_wait3A_493 = arith.constant 0 : i32
    %dma_wait3A_494 = tpu.memref_slice %arg4[%mul3A_2, %dma_wait3A_493] : memref<425984x128xf32, #tpu.memory_space<hbm>> -> memref<208x128xf32, #tpu.memory_space<hbm>>
    %dma_wait3A_495 = arith.constant 0 : i32
    %dma_wait3A_496 = arith.constant 0 : i32
    %dma_wait3A_497 = tpu.memref_slice %arg6[%dma_wait3A_486, %dma_wait3A_495, %dma_wait3A_496] : memref<4x208x128xf32, #tpu.memory_space<vmem>> -> memref<1x208x128xf32, #tpu.memory_space<vmem>>
    %dma_wait3A_498 = tpu.memref_squeeze %dma_wait3A_497 : memref<1x208x128xf32, #tpu.memory_space<vmem>> -> memref<208x128xf32, #tpu.memory_space<vmem>>
    tpu.wait_dma2 semaphore(%arg12 : memref<!tpu.dma_semaphore, #tpu.memory_space<semaphore_mem>>) src(%dma_wait3A_498 : memref<208x128xf32, #tpu.memory_space<vmem>>) dst(%dma_wait3A_494 : memref<208x128xf32, #tpu.memory_space<hbm>>)
    %dma_wait3A_499 = arith.constant 2 : i32
    %dma_wait3A_500 = arith.constant 0 : i32
    %dma_wait3A_501 = arith.constant 0 : i32
    %dma_wait3A_502 = tpu.memref_slice %arg6[%dma_wait3A_499, %dma_wait3A_500, %dma_wait3A_501] : memref<4x208x128xf32, #tpu.memory_space<vmem>> -> memref<1x208x128xf32, #tpu.memory_space<vmem>>
    %dma_wait3A_503 = tpu.memref_squeeze %dma_wait3A_502 : memref<1x208x128xf32, #tpu.memory_space<vmem>> -> memref<208x128xf32, #tpu.memory_space<vmem>>
    %dma_wait3A_504 = arith.constant 0 : i32
    %dma_wait3A_505 = tpu.memref_slice %arg4[%mul3A_2, %dma_wait3A_504] : memref<425984x128xf32, #tpu.memory_space<hbm>> -> memref<208x128xf32, #tpu.memory_space<hbm>>
    %dma_wait3A_506 = arith.constant 0 : i32
    %dma_wait3A_507 = tpu.memref_slice %arg4[%mul3A_2, %dma_wait3A_506] : memref<425984x128xf32, #tpu.memory_space<hbm>> -> memref<208x128xf32, #tpu.memory_space<hbm>>
    %dma_wait3A_508 = arith.constant 0 : i32
    %dma_wait3A_509 = arith.constant 0 : i32
    %dma_wait3A_510 = tpu.memref_slice %arg6[%dma_wait3A_499, %dma_wait3A_508, %dma_wait3A_509] : memref<4x208x128xf32, #tpu.memory_space<vmem>> -> memref<1x208x128xf32, #tpu.memory_space<vmem>>
    %dma_wait3A_511 = tpu.memref_squeeze %dma_wait3A_510 : memref<1x208x128xf32, #tpu.memory_space<vmem>> -> memref<208x128xf32, #tpu.memory_space<vmem>>
    tpu.wait_dma2 semaphore(%arg13 : memref<!tpu.dma_semaphore, #tpu.memory_space<semaphore_mem>>) src(%dma_wait3A_511 : memref<208x128xf32, #tpu.memory_space<vmem>>) dst(%dma_wait3A_507 : memref<208x128xf32, #tpu.memory_space<hbm>>)
    %dma_wait3A_512 = arith.constant 3 : i32
    %dma_wait3A_513 = arith.constant 0 : i32
    %dma_wait3A_514 = arith.constant 0 : i32
    %dma_wait3A_515 = tpu.memref_slice %arg6[%dma_wait3A_512, %dma_wait3A_513, %dma_wait3A_514] : memref<4x208x128xf32, #tpu.memory_space<vmem>> -> memref<1x208x128xf32, #tpu.memory_space<vmem>>
    %dma_wait3A_516 = tpu.memref_squeeze %dma_wait3A_515 : memref<1x208x128xf32, #tpu.memory_space<vmem>> -> memref<208x128xf32, #tpu.memory_space<vmem>>
    %dma_wait3A_517 = arith.constant 0 : i32
    %dma_wait3A_518 = tpu.memref_slice %arg4[%mul3A_2, %dma_wait3A_517] : memref<425984x128xf32, #tpu.memory_space<hbm>> -> memref<208x128xf32, #tpu.memory_space<hbm>>
    %dma_wait3A_519 = arith.constant 0 : i32
    %dma_wait3A_520 = tpu.memref_slice %arg4[%mul3A_2, %dma_wait3A_519] : memref<425984x128xf32, #tpu.memory_space<hbm>> -> memref<208x128xf32, #tpu.memory_space<hbm>>
    %dma_wait3A_521 = arith.constant 0 : i32
    %dma_wait3A_522 = arith.constant 0 : i32
    %dma_wait3A_523 = tpu.memref_slice %arg6[%dma_wait3A_512, %dma_wait3A_521, %dma_wait3A_522] : memref<4x208x128xf32, #tpu.memory_space<vmem>> -> memref<1x208x128xf32, #tpu.memory_space<vmem>>
    %dma_wait3A_524 = tpu.memref_squeeze %dma_wait3A_523 : memref<1x208x128xf32, #tpu.memory_space<vmem>> -> memref<208x128xf32, #tpu.memory_space<vmem>>
    tpu.wait_dma2 semaphore(%arg14 : memref<!tpu.dma_semaphore, #tpu.memory_space<semaphore_mem>>) src(%dma_wait3A_524 : memref<208x128xf32, #tpu.memory_space<vmem>>) dst(%dma_wait3A_520 : memref<208x128xf32, #tpu.memory_space<hbm>>)
    return
  }
}

</mosaic_0001>

<sc_bundles>
// kernel: kernel.3.cloned.1.call-start
scs
__scs_entry_jumppad:
0x0: {  	(pc) =	sbr.rel $0x88, $3  }
0x1: {  	(tag) =	ssettag $0x0;
	lr =	simm.s32 $0x1  }
0x2: {  	[smem:$0x3F9F] =	sst lr;
	_ =	strace $0xD0000000  }
0x3: {  	_ = 	snop  }
0x4: {  	_ = 	snop  }
0x5: {  	_ = 	snop  }
0x6: {  	_ = 	snop  }
0x7: {  	_ = 	snop  }
__scs_overlays_trampoline_lowered:
0x8: {  	[smem:$0x3FAE] =	sst s0  }
0x9: {  	[smem:$0x3FAF] =	sst s1  }
0xa: {  	[smem:$0x3FB0] =	sst s2  }
0xb: {  	[smem:$0x3FB1] =	sst s3  }
0xc: {  	[smem:$0x3FB2] =	sst s4  }
0xd: {  	[smem:$0x3FB3] =	sst s5  }
0xe: {  	[smem:$0x3FB4] =	sst s6  }
0xf: {  	[smem:$0x3FB5] =	sst s7  }
0x10: {  	[smem:$0x3FB6] =	sst s8  }
0x11: {  	[smem:$0x3FB7] =	sst s9;
	s0 =	simm.s32 @!p0 $0x0  }
0x12: {  	s1 =	sld [smem:$0x3F9D];
	s0 =	simm.s32 @p0 $0x1  }
0x13: {  	[smem:$0x3FB8] =	sst s0;
	s0 =	simm.s32 @!p1 $0x0  }
0x14: {  	s2 =	sld [smem:$0x3F9C];
	s0 =	simm.s32 @p1 $0x1  }
0x15: {  	[smem:$0x3FB9] =	sst s0;
	s0 =	simm.s32 @!p2 $0x0  }
0x16: {  	s3 =	sld [smem:$0x3FDB];
	s0 =	simm.s32 @p2 $0x1  }
0x17: {  	s4 =	simm.s32 $0x1BF5;
	[smem:$0x3FBB] =	sst s0  }
0x18: {  	s0 =	sld [smem:$0x3F9E];
	_ =	swait.ge [sflag:s4], $0x0  }
0x19: {  	s7 =	sld [smem:$0x3F9F]  }
0x1a: {  	s8 =	sadd.s32 $0xFFFFE003, lr  }
0x1b: {  	s9 =	sadd.s32 $0xFFFFFEF7, lr;
	s5 =	simm.s32 $0xFFFFFFFF;
	p2 =	slt.u32 s8, $0xFFFFF086  }
0x1c: {  	p1 =	slt.u32 s9, $0xF7A;
	s5 =	simm.s32 @!p2 $0x0  }
0x1d: {  	s5 =	simm.s32 @p1 $0x1;
	p0 =	seq.s32 s7, s2  }
0x1e: {  	s7 =	smul.u32 @!p0 $0xF7A, s2;
	p2 =	seq.s32 @!p0 s5, $0x0  }
0x1f: {  	s9 =	smul.u32 $0xF7A, s1;
	s8 =	simm.s32 @!p0 $0x1BF5;
	p2 =	por !p2, p0  }
0x20: {  	[sflag:s8] =	ssyncset.s32 @!p0 $0xFFFFF086;
	s6 =	sadd.s32 @!p0 s3, s7;
	s7 =	simm.s32 @!p0 $0x108  }
0x21: {  	s3 =	sadd.s32 s3, s9;
	s6 =	sadd.s32 @!p0 $0x88, s6;
	s7 =	simm.s32 @p2 $0x1082  }
0x22: {  	[simem:s7], [sflag:s8] =	dma.local @!p0 [hbm:s6], $0xF7A  }
0x23: {  	s9 =	sor.u32 $0xD0000000, s2;
	s6 =	simm.s32 $0x108;
	_ =	swait.ge @!p0 [sflag:s8], $0x0  }
0x24: {  	s3 =	sadd.s32 $0x88, s3;
	s6 =	simm.s32 @!p1 $0x1082;
	[sflag:s4] =	ssyncset.s32 $0xFFFFF086  }
0x25: {  	[simem:s6], [sflag:s4] =	dma.local [hbm:s3], $0xF7A  }
0x26: {  	[smem:$0x3F9F] =	sst s1;
	(tag) =	ssettag s2;
	_ =	strace s9  }
0x27: {  	s1 =	sld [smem:$0x3FAF]  }
0x28: {  	s2 =	sld [smem:$0x3FB0]  }
0x29: {  	s4 =	sld [smem:$0x3FB2]  }
0x2a: {  	p0 =	seq.s32 s5, $0x0;
	s5 =	sld [smem:$0x3FB3]  }
0x2b: {  	s6 =	sld [smem:$0x3FB4]  }
0x2c: {  	s7 =	sld [smem:$0x3FB5]  }
0x2d: {  	s3 =	simm.s32 $0x108;
	s8 =	sld [smem:$0x3FB6]  }
0x2e: {  	s3 =	simm.s32 @!p0 $0x1082;
	s9 =	sld [smem:$0x3FB7]  }
0x2f: {  	lr =	sadd.s32 s0, s3;
	s0 =	sld [smem:$0x3FAE]  }
0x30: {  	s3 =	sld [smem:$0x3FB1]  }
0x31: {  	[smem:$0x3FBA] =	sst s10  }
0x32: {  	s10 =	sld [smem:$0x3FB8];
	_ =	sdelay $0x3  }
0x33: {  	p0 =	seq.s32 s10, $0x1;
	s10 =	sld [smem:$0x3FBA];
	_ =	sdelay $0x3  }
0x34: {  	[smem:$0x3FBA] =	sst s10  }
0x35: {  	s10 =	sld [smem:$0x3FB9];
	_ =	sdelay $0x3  }
0x36: {  	p1 =	seq.s32 s10, $0x1;
	s10 =	sld [smem:$0x3FBA];
	_ =	sdelay $0x3  }
0x37: {  	[smem:$0x3FBA] =	sst s10  }
0x38: {  	s10 =	sld [smem:$0x3FBB]  }
0x39: {  	_ = 	snop;
	(pc) =	sbr.ind lr, $3  }
0x3a: {  	_ = 	snop  }
0x3b: {  	_ = 	snop  }
0x3c: {  	p2 =	seq.s32 s10, $0x1;
	s10 =	sld [smem:$0x3FBA]  }
0x3d: {  	_ =	shalt  }
0x3e: {  	_ =	shalt  }
0x3f: {  	_ =	shalt  }
0x40: {  	_ =	shalt  }
0x41: {  	_ =	shalt  }
0x42: {  	_ =	shalt  }
0x43: {  	_ =	shalt  }
0x44: {  	_ =	shalt  }
0x45: {  	_ =	shalt  }
0x46: {  	_ =	shalt  }
0x47: {  	_ =	shalt  }
0x48: {  	_ =	shalt  }
0x49: {  	_ =	shalt  }
0x4a: {  	_ =	shalt  }
0x4b: {  	_ =	shalt  }
0x4c: {  	_ =	shalt  }
0x4d: {  	_ =	shalt  }
0x4e: {  	_ =	shalt  }
0x4f: {  	_ =	shalt  }
0x50: {  	_ =	shalt  }
0x51: {  	_ =	shalt  }
0x52: {  	_ =	shalt  }
0x53: {  	_ =	shalt  }
0x54: {  	_ =	shalt  }
0x55: {  	_ =	shalt  }
0x56: {  	_ =	shalt  }
0x57: {  	_ =	shalt  }
0x58: {  	_ =	shalt  }
0x59: {  	_ =	shalt  }
0x5a: {  	_ =	shalt  }
0x5b: {  	_ =	shalt  }
0x5c: {  	_ =	shalt  }
0x5d: {  	_ =	shalt  }
0x5e: {  	_ =	shalt  }
0x5f: {  	_ =	shalt  }
0x60: {  	_ =	shalt  }
0x61: {  	_ =	shalt  }
0x62: {  	_ =	shalt  }
0x63: {  	_ =	shalt  }
0x64: {  	_ =	shalt  }
0x65: {  	_ =	shalt  }
0x66: {  	_ =	shalt  }
0x67: {  	_ =	shalt  }
0x68: {  	_ =	shalt  }
0x69: {  	_ =	shalt  }
0x6a: {  	_ =	shalt  }
0x6b: {  	_ =	shalt  }
0x6c: {  	_ =	shalt  }
0x6d: {  	_ =	shalt  }
0x6e: {  	_ =	shalt  }
0x6f: {  	_ =	shalt  }
0x70: {  	_ =	shalt  }
0x71: {  	_ =	shalt  }
0x72: {  	_ =	shalt  }
0x73: {  	_ =	shalt  }
0x74: {  	_ =	shalt  }
0x75: {  	_ =	shalt  }
0x76: {  	_ =	shalt  }
0x77: {  	_ =	shalt  }
0x78: {  	_ =	shalt  }
0x79: {  	_ =	shalt  }
0x7a: {  	_ =	shalt  }
0x7b: {  	_ =	shalt  }
0x7c: {  	_ =	shalt  }
0x7d: {  	_ =	shalt  }
0x7e: {  	_ =	shalt  }
0x7f: {  	_ =	shalt  }
0x80: {  	_ =	shalt  }
0x81: {  	_ =	shalt  }
0x82: {  	_ =	shalt  }
0x83: {  	_ =	shalt  }
0x84: {  	_ =	shalt  }
0x85: {  	_ =	shalt  }
0x86: {  	_ =	shalt  }
0x87: {  	_ =	shalt  }
.Lfunc_end0:
.L_simem_size_0:
called_computation_lowered:
.L_overlay_start_0:
0x88: {  	s2 =	sld [smem:$0x3FD9]  }
0x89: {  	s3 =	sld [smem:$0x3FFE];
	_ =	sdelay $0x1  }
0x8a: {  	s1 =	srdreg.scid  }
0x8b: {  	s0 =	sand.u32 $0x1, s1  }
0x8c: {  	s17 =	sshll.u32 s0, $0xA;
	s2 =	sadd.s32 s3, s2  }
0x8d: {  	s2 =	sadd.s32 s2, s17  }
0x8e: {  	[smem:$0x3FC6] =	sst s2  }
0x8f: {  	_ = 	snop  }
0x90: {  	s2 =	sld [smem:$0x3FC8]  }
0x91: {  	s18 =	sld [smem:$0x3FD0];
	(tm) =	ssettm $0x1  }
0x92: {  	s4 =	sld [smem:$0x3FFB];
	_ =	sdelay $0x3  }
0x93: {  	_ =	strace s4  }
0x94: {  	s4 =	sld [smem:$0x3FFC];
	_ =	sdelay $0x3  }
0x95: {  	_ =	strace s4  }
0x96: {  	s4 =	sld [smem:$0x3FFD];
	_ =	sdelay $0x3  }
0x97: {  	_ =	strace s4  }
0x98: {  	_ =	strace $0x8FFFFFFF  }
0x99: {  	s19 =	sld [smem:$0x3FDB];
	_ =	sdelay $0x1  }
0x9a: {  	s5 =	simm.s32 $_scs_section_size  }
0x9b: {  	s6 =	simm.s32 $_size__tile_overlayer_lowered;
	s7 =	simm.s32 $_tile_overlayer_lowered  }
0x9c: {  	s22 =	simm.s32 $0x1BFF;
	s21 =	sshll.u32 s7, $0x1;
	s4 =	sadd.s32 s5, s19  }
0x9d: {  	s8 =	simm.s32 $0x0;
	s20 =	sshll.u32 s6, $0x1;
	s6 =	sadd.s32 s21, s4  }
0x9e: {  	[timem:s8], [sflag:s22] =	dma.local [hbm:s6], s20  }
0x9f: {  	_ =	swait.ge [sflag:s22], s20  }
0xa0: {  	s5 =	ssub.s32 $0x0, s20;
	[sflag:s22] =	ssyncset.done $0x0  }
0xa1: {  	[sflag:s22] =	ssyncadd.s32 s5;
	_ =	sdelay $0x1  }
0xa2: {  	s23 =	simm.s32 $0x1B8B  }
0xa3: {  	_ =	swait.ge [sflag:s23], $0x1  }
0xa4: {  	[sflag:s23] =	ssyncset.done $0x0  }
0xa5: {  	s25 =	simm.s32 $0x1B8E;
	s24 =	sld [smem:$0x3FFE];
	[sflag:s23] =	ssyncadd.s32 $0xFFFFFFFF  }
0xa6: {  	s26 =	simm.s32 $execute0_lowered;
	[smem:$0x3FD2] =	sst s25  }
0xa7: {  	s6 =	sshll.u32 s26, $0x1;
	_ =	strace $0x80000046;
	[dreg:$0x1] =	wrdreg $0xFFFFFFFF  }
0xa8: {  	s28 =	simm.s32 $_size_execute0_lowered;
	s4 =	sadd.s32 s4, s6;
	[dreg:$0x0] =	wrdreg $0x0  }
0xa9: {  	s6 =	sshll.u32 s28, $0x1;
	[dreg:$0x2] =	wrdreg s4  }
0xaa: {  	[dreg:$0x3] =	wrdreg s6  }
0xab: {  	[dreg:$0x4] =	wrdreg $0xC0  }
0xac: {  	_ =	task [dreg:s8], $0x5FFFF  }
0xad: {  	[dreg:$0x1] =	wrdreg $0xFFFFFFFF  }
0xae: {  	[dreg:$0x0] =	wrdreg $0x60  }
0xaf: {  	[dreg:$0x2] =	wrdreg s2  }
0xb0: {  	[dreg:$0x3] =	wrdreg s24  }
0xb1: {  	[dreg:$0x4] =	wrdreg s18  }
0xb2: {  	[dreg:$0x5] =	wrdreg $0x9  }
0xb3: {  	_ =	task.clear_ibuf [dreg:s8], $0x6FFFF;
	_ =	strace $0x90000046  }
0xb4: {  	s29 =	simm.s32 $0x9;
	_ =	strace $0x80000048  }
0xb5: {  	_ =	swait.ge [sflag:s29], $0x1  }
0xb6: {  	[sflag:s29] =	ssyncadd.s32 $0xFFFFFFFF  }
0xb7: {  	_ =	strace $0x90000048  }
0xb8: {  	_ =	sfence  }
0xb9: {  	s30 =	sld [smem:$0x0];
	_ =	sdelay $0x2  }
0xba: {  	s31 =	sshll.u32 s1, $0xD;
	s1 =	sshrl.u32 s1, $0x2  }
0xbb: {  	s3 =	sand.u32 $0x4000, s31;
	s1 =	sadd.s32 s1, s30  }
0xbc: {  	s0 =	sor.u32 s3, s0;
	s1 =	sshll.u32 s1, $0x11  }
0xbd: {  	s0 =	sor.u32 s1, s0  }
0xbe: {  	s0 =	sadd.s32 $0x8F2B, s0  }
0xbf: {  	[sflag:s0] =	ssyncadd.remote.s32 $0x1  }
0xc0: {  	_ =	sfence.sel $0xFFFF  }
0xc1: {  	[dreg:$0x0] =	wrdreg $0xFFFFFFFF;
	(pc) =	sbr.abs _section_cstart, $3  }
0xc2: {  	[dreg:$0x1] =	wrdreg $0xFFFFFFFF  }
0xc3: {  	_ =	task.clear_ibuf [dreg:s8], $0x2FFFF;
	_ =	strace $0x9FFFFFFF  }
0xc4: {  	(tm) =	ssettm $0x7FFFFFFF  }
0xc5: {  	_ =	shalt  }
tec
execute0_lowered:
.L_overlay_start_1:
0x0: {  	(tag) =	ssettag $0x1  }
0x1: {  	s1 =	rddreg [dreg:$0x0]  }
0x2: {  	s0 =	rddreg [dreg:$0x1]  }
0x3: {  	s2 =	srdreg.scid;
	s10 =	stileid.u32  }
0x4: {  	s4 =	rddreg [dreg:$0x2];
	s3 =	simm.s32 $0x0;
	s15 =	simm.s32 $0x9  }
0x5: {  	s16 =	simm.s32 $0x68;
	s17 =	simm.s32 $0x3400;
	s18 =	simm.s32 $0x6800  }
0x6: {  	s28 =	simm.s32 $0x1;
	s2 =	sand.u32 $0x1, s2;
	s5 =	sshll.u32 s10, $0x1  }
0x7: {  	s30 =	simm.s32 $0x16C00;
	s23 =	smul.u32 $0x68000, s10;
	s5 =	sor.u32 s2, s5  }
0x8: {  	s19 =	simm.s32 $0x5;
	s29 =	simm.s32 $0x6;
	s6 =	smul.u32 $0x3400, s5  }
0x9: {  	s31 =	simm.s32 $0x7;
	[smem:$0x7FF] =	sst s3;
	s8 =	smul.u32 $0x34000, s5  }
0xa: {  	_ =	strace $0x80000047;
	s7 =	ssub.s32 $0x2, s2;
	s9 =	smul.u32 $0x1A0000, s5  }
0xb: {  	s2 =	smul.u32 $0x34000, s2;
	s20 =	sshrl.u32 s7, $0x1;
	s5 =	sadd.s32 s4, s8  }
0xc: {  	s6 =	sshrl.u32 s6, $0x3;
	s22 =	sshrl.u32 s9, $0x3;
	s21 =	sadd.s32 $0xD00, s5  }
0xd: {  	s0 =	sadd.s32 s6, s0;
	s8 =	sadd.s32 $0x1A00, s5;
	[dreg:$0x5] =	wrdreg s21  }
0xe: {  	s6 =	ssub.s32 s7, s20;
	s24 =	sadd.s32 $0x2700, s5;
	[dreg:$0x6] =	wrdreg s8  }
0xf: {  	s20 =	simm.s32 $0x9C00;
	s0 =	sadd.s32 $0x400, s0;
	[dreg:$0x7] =	wrdreg s24  }
0x10: {  	s13 =	smax.u32 s6, $0x1;
	s24 =	simm.s32 $0x10400;
	s21 =	simm.s32 $0x8  }
0x11: {  	[dreg:$0x4] =	wrdreg s0;
	s0 =	sadd.s32 s4, s22;
	s4 =	sadd.s32 s23, s4  }
0x12: {  	s22 =	simm.s32 $0xD000;
	s23 =	simm.s32 $0x4;
	s25 =	sadd.s32 $0x30C00, s0  }
0x13: {  	s26 =	sadd.s32 $0x31900, s0;
	s11 =	sadd.s32 $0x32600, s0;
	s2 =	sadd.s32 s2, s4  }
0x14: {  	s12 =	sadd.s32 $0x33300, s0;
	s0 =	simm.s32 $0x2;
	[dreg:$0x8] =	wrdreg s25  }
0x15: {  	s4 =	simm.s32 $0x0;
	[dreg:$0x9] =	wrdreg s26;
	s8 =	sadd.s32 $0x5B00, s2  }
0x16: {  	s26 =	simm.s32 $0x13800;
	s2 =	simm.s32 $0x1A000;
	s25 =	simm.s32 $0x3  }
.LBB2_1:
0x17: {  	s6 =	rddreg [dreg:$0x4]  }
0x18: {  	[tilespmem:s3], [sflag:$0x9] =	stream.linear.gather [hbm4b:s6+s3], $0x3400, $0x38;
	[tilespmem:$0x1D400] =	vst v63  }
0x19: {  	_ =	swait.ge [sflag:s15], $0x3400  }
0x1a: {  	[sflag:s15] =	ssyncset.done $0x0  }
0x1b: {  	[sflag:s15] =	ssyncadd.s32 $0xFFFFCC00  }
0x1c: {  	[tilespmem:s17], [sflag:$0x1] =	stream.indirect.gather [hbm4b:s1+s16], $0x80, s3, s16, $0xb8;
	[tilespmem:$0x1D400] =	vst v63  }
0x1d: {  	_ = 	snop  }
0x1e: {  	[tilespmem:s18], [sflag:$0x1] =	stream.indirect.gather [hbm4b:s1+s16], $0x80, s16, s16, $0xb8;
	[tilespmem:$0x1D400] =	vst v63  }
0x1f: {  	s7 =	simm.s32 $0xD0  }
0x20: {  	[tilespmem:s20], [sflag:$0x2] =	stream.indirect.gather [hbm4b:s1+s16], $0x80, s7, s16, $0xb8;
	[tilespmem:$0x1D400] =	vst v63  }
0x21: {  	s9 =	simm.s32 $0x138  }
0x22: {  	[tilespmem:s22], [sflag:$0x2] =	stream.indirect.gather [hbm4b:s1+s16], $0x80, s9, s16, $0xb8;
	[tilespmem:$0x1D400] =	vst v63  }
0x23: {  	s10 =	simm.s32 $0x1A0  }
0x24: {  	[tilespmem:s24], [sflag:$0x3] =	stream.indirect.gather [hbm4b:s1+s16], $0x80, s10, s16, $0xb8;
	[tilespmem:$0x1D400] =	vst v63  }
0x25: {  	s14 =	simm.s32 $0x208  }
0x26: {  	[tilespmem:s26], [sflag:$0x3] =	stream.indirect.gather [hbm4b:s1+s16], $0x80, s14, s16, $0xb8;
	[tilespmem:$0x1D400] =	vst v63  }
0x27: {  	_ =	swait.ge [sflag:s28], $0x6800  }
0x28: {  	[sflag:s28] =	ssyncset.done $0x0  }
0x29: {  	[sflag:s28] =	ssyncadd.s32 $0xFFFF9800  }
0x2a: {  	[hbm4b:s5+s3] =	stream.linear.scatter [tilespmem:s17], [sflag:$0x5], $0x6800, $0x38;
	[tilespmem:$0x1D400] =	vst v63  }
0x2b: {  	s7 =	simm.s32 $0x270  }
0x2c: {  	[tilespmem:s30], [sflag:$0x4] =	stream.indirect.gather [hbm4b:s1+s16], $0x80, s7, s16, $0xb8;
	[tilespmem:$0x1D400] =	vst v63  }
0x2d: {  	s9 =	simm.s32 $0x2D8  }
0x2e: {  	[tilespmem:s2], [sflag:$0x4] =	stream.indirect.gather [hbm4b:s1+s16], $0x80, s9, s16, $0xb8;
	[tilespmem:$0x1D400] =	vst v63  }
0x2f: {  	_ =	swait.ge [sflag:s0], $0x6800  }
0x30: {  	[sflag:s0] =	ssyncset.done $0x0  }
0x31: {  	s10 =	rddreg [dreg:$0x5];
	[sflag:s0] =	ssyncadd.s32 $0xFFFF9800  }
0x32: {  	[hbm4b:s10+s3] =	stream.linear.scatter [tilespmem:s20], [sflag:$0x6], $0x6800, $0x38;
	[tilespmem:$0x1D400] =	vst v63  }
0x33: {  	_ =	swait.ge [sflag:s19], $0x6800  }
0x34: {  	[sflag:s19] =	ssyncset.done $0x0  }
0x35: {  	s14 =	simm.s32 $0x340;
	[sflag:s19] =	ssyncadd.s32 $0xFFFF9800  }
0x36: {  	[tilespmem:s17], [sflag:$0x1] =	stream.indirect.gather [hbm4b:s1+s16], $0x80, s14, s16, $0xb8;
	[tilespmem:$0x1D400] =	vst v63  }
0x37: {  	s7 =	simm.s32 $0x3A8  }
0x38: {  	[tilespmem:s18], [sflag:$0x1] =	stream.indirect.gather [hbm4b:s1+s16], $0x80, s7, s16, $0xb8;
	[tilespmem:$0x1D400] =	vst v63  }
0x39: {  	_ =	swait.ge [sflag:s25], $0x6800  }
0x3a: {  	[sflag:s25] =	ssyncset.done $0x0  }
0x3b: {  	s9 =	rddreg [dreg:$0x6];
	[sflag:s25] =	ssyncadd.s32 $0xFFFF9800  }
0x3c: {  	[hbm4b:s9+s3] =	stream.linear.scatter [tilespmem:s24], [sflag:$0x7], $0x6800, $0x38;
	[tilespmem:$0x1D400] =	vst v63  }
0x3d: {  	_ =	swait.ge [sflag:s29], $0x6800  }
0x3e: {  	[sflag:s29] =	ssyncset.done $0x0  }
0x3f: {  	s10 =	simm.s32 $0x410;
	[sflag:s29] =	ssyncadd.s32 $0xFFFF9800  }
0x40: {  	[tilespmem:s20], [sflag:$0x2] =	stream.indirect.gather [hbm4b:s1+s16], $0x80, s10, s16, $0xb8;
	[tilespmem:$0x1D400] =	vst v63  }
0x41: {  	s14 =	simm.s32 $0x478  }
0x42: {  	[tilespmem:s22], [sflag:$0x2] =	stream.indirect.gather [hbm4b:s1+s16], $0x80, s14, s16, $0xb8;
	[tilespmem:$0x1D400] =	vst v63  }
0x43: {  	_ =	swait.ge [sflag:s23], $0x6800  }
0x44: {  	[sflag:s23] =	ssyncset.done $0x0  }
0x45: {  	s7 =	rddreg [dreg:$0x7];
	[sflag:s23] =	ssyncadd.s32 $0xFFFF9800  }
0x46: {  	[hbm4b:s7+s3] =	stream.linear.scatter [tilespmem:s30], [sflag:$0x8], $0x6800, $0x38;
	[tilespmem:$0x1D400] =	vst v63  }
0x47: {  	_ =	swait.ge [sflag:s31], $0x6800  }
0x48: {  	[sflag:s31] =	ssyncset.done $0x0  }
0x49: {  	s9 =	simm.s32 $0x4E0;
	[sflag:s31] =	ssyncadd.s32 $0xFFFF9800  }
0x4a: {  	[tilespmem:s24], [sflag:$0x3] =	stream.indirect.gather [hbm4b:s1+s16], $0x80, s9, s16, $0xb8;
	[tilespmem:$0x1D400] =	vst v63  }
0x4b: {  	s10 =	simm.s32 $0x548  }
0x4c: {  	[tilespmem:s26], [sflag:$0x3] =	stream.indirect.gather [hbm4b:s1+s16], $0x80, s10, s16, $0xb8;
	[tilespmem:$0x1D400] =	vst v63  }
0x4d: {  	_ =	swait.ge [sflag:s28], $0x6800  }
0x4e: {  	[sflag:s28] =	ssyncset.done $0x0  }
0x4f: {  	s14 =	sadd.s32 $0xFFFFD900, s8;
	[sflag:s28] =	ssyncadd.s32 $0xFFFF9800  }
0x50: {  	[hbm4b:s14+s3] =	stream.linear.scatter [tilespmem:s17], [sflag:$0x5], $0x6800, $0x38;
	[tilespmem:$0x1D400] =	vst v63  }
0x51: {  	_ =	swait.ge [sflag:s21], $0x6800  }
0x52: {  	[sflag:s21] =	ssyncset.done $0x0  }
0x53: {  	s7 =	simm.s32 $0x5B0;
	[sflag:s21] =	ssyncadd.s32 $0xFFFF9800  }
0x54: {  	[tilespmem:s30], [sflag:$0x4] =	stream.indirect.gather [hbm4b:s1+s16], $0x80, s7, s16, $0xb8;
	[tilespmem:$0x1D400] =	vst v63  }
0x55: {  	s9 =	simm.s32 $0x618  }
0x56: {  	[tilespmem:s2], [sflag:$0x4] =	stream.indirect.gather [hbm4b:s1+s16], $0x80, s9, s16, $0xb8;
	[tilespmem:$0x1D400] =	vst v63  }
0x57: {  	_ =	swait.ge [sflag:s0], $0x6800  }
0x58: {  	[sflag:s0] =	ssyncset.done $0x0  }
0x59: {  	s10 =	sadd.s32 $0xFFFFE600, s8;
	[sflag:s0] =	ssyncadd.s32 $0xFFFF9800  }
0x5a: {  	[hbm4b:s10+s3] =	stream.linear.scatter [tilespmem:s20], [sflag:$0x6], $0x6800, $0x38;
	[tilespmem:$0x1D400] =	vst v63  }
0x5b: {  	_ =	swait.ge [sflag:s19], $0x6800  }
0x5c: {  	[sflag:s19] =	ssyncset.done $0x0  }
0x5d: {  	s14 =	simm.s32 $0x680;
	[sflag:s19] =	ssyncadd.s32 $0xFFFF9800  }
0x5e: {  	[tilespmem:s17], [sflag:$0x1] =	stream.indirect.gather [hbm4b:s1+s16], $0x80, s14, s16, $0xb8;
	[tilespmem:$0x1D400] =	vst v63  }
0x5f: {  	s7 =	simm.s32 $0x6E8  }
0x60: {  	[tilespmem:s18], [sflag:$0x1] =	stream.indirect.gather [hbm4b:s1+s16], $0x80, s7, s16, $0xb8;
	[tilespmem:$0x1D400] =	vst v63  }
0x61: {  	_ =	swait.ge [sflag:s25], $0x6800  }
0x62: {  	[sflag:s25] =	ssyncset.done $0x0  }
0x63: {  	s9 =	sadd.s32 $0xFFFFF300, s8;
	[sflag:s25] =	ssyncadd.s32 $0xFFFF9800  }
0x64: {  	[hbm4b:s9+s3] =	stream.linear.scatter [tilespmem:s24], [sflag:$0x7], $0x6800, $0x38;
	[tilespmem:$0x1D400] =	vst v63  }
0x65: {  	_ =	swait.ge [sflag:s29], $0x6800  }
0x66: {  	[sflag:s29] =	ssyncset.done $0x0  }
0x67: {  	s10 =	simm.s32 $0x750;
	[sflag:s29] =	ssyncadd.s32 $0xFFFF9800  }
0x68: {  	[tilespmem:s20], [sflag:$0x2] =	stream.indirect.gather [hbm4b:s1+s16], $0x80, s10, s16, $0xb8;
	[tilespmem:$0x1D400] =	vst v63  }
0x69: {  	s14 =	simm.s32 $0x7B8  }
0x6a: {  	[tilespmem:s22], [sflag:$0x2] =	stream.indirect.gather [hbm4b:s1+s16], $0x80, s14, s16, $0xb8;
	[tilespmem:$0x1D400] =	vst v63  }
0x6b: {  	_ =	swait.ge [sflag:s23], $0x6800  }
0x6c: {  	s6 =	simm.s32 $0xD00;
	[sflag:s23] =	ssyncset.done $0x0  }
0x6d: {  	s7 =	sadd.s32 $0x3400, s8;
	s14 =	smov.u32 s8;
	[sflag:s23] =	ssyncadd.s32 $0xFFFF9800  }
.LBB2_2:
0x6e: {  	[hbm4b:s14+s3] =	stream.linear.scatter [tilespmem:s30], [sflag:$0x8], $0x6800, $0x38;
	[tilespmem:$0x1D400] =	vst v63  }
0x6f: {  	s9 =	smov.u32 s6;
	s14 =	smov.u32 s7  }
0x70: {  	p0 =	sne.s32 s6, $0xA900;
	s6 =	sadd.s32 $0xD00, s6;
	_ =	swait.ge [sflag:s31], $0x6800  }
0x71: {  	s9 =	sshra.s32 s9, $0x2;
	[sflag:s31] =	ssyncset.done $0x0  }
0x72: {  	s10 =	sadd.s32 $0x4E0, s9;
	[sflag:s31] =	ssyncadd.s32 $0xFFFF9800  }
0x73: {  	[tilespmem:s24], [sflag:$0x3] =	stream.indirect.gather [hbm4b:s1+s16], $0x80, s10, s16, $0xb8;
	[tilespmem:$0x1D400] =	vst v63  }
0x74: {  	s10 =	sadd.s32 $0x548, s9  }
0x75: {  	[tilespmem:s26], [sflag:$0x3] =	stream.indirect.gather [hbm4b:s1+s16], $0x80, s10, s16, $0xb8;
	[tilespmem:$0x1D400] =	vst v63  }
0x76: {  	_ =	swait.ge [sflag:s28], $0x6800  }
0x77: {  	[sflag:s28] =	ssyncset.done $0x0  }
0x78: {  	s10 =	sadd.s32 $0xFFFFD900, s7;
	[sflag:s28] =	ssyncadd.s32 $0xFFFF9800  }
0x79: {  	[hbm4b:s10+s3] =	stream.linear.scatter [tilespmem:s17], [sflag:$0x5], $0x6800, $0x38;
	[tilespmem:$0x1D400] =	vst v63  }
0x7a: {  	_ =	swait.ge [sflag:s21], $0x6800  }
0x7b: {  	[sflag:s21] =	ssyncset.done $0x0  }
0x7c: {  	s10 =	sadd.s32 $0x5B0, s9;
	[sflag:s21] =	ssyncadd.s32 $0xFFFF9800  }
0x7d: {  	[tilespmem:s30], [sflag:$0x4] =	stream.indirect.gather [hbm4b:s1+s16], $0x80, s10, s16, $0xb8;
	[tilespmem:$0x1D400] =	vst v63  }
0x7e: {  	s10 =	sadd.s32 $0x618, s9  }
0x7f: {  	[tilespmem:s2], [sflag:$0x4] =	stream.indirect.gather [hbm4b:s1+s16], $0x80, s10, s16, $0xb8;
	[tilespmem:$0x1D400] =	vst v63  }
0x80: {  	_ =	swait.ge [sflag:s0], $0x6800  }
0x81: {  	[sflag:s0] =	ssyncset.done $0x0  }
0x82: {  	s10 =	sadd.s32 $0xFFFFE600, s7;
	[sflag:s0] =	ssyncadd.s32 $0xFFFF9800  }
0x83: {  	[hbm4b:s10+s3] =	stream.linear.scatter [tilespmem:s20], [sflag:$0x6], $0x6800, $0x38;
	[tilespmem:$0x1D400] =	vst v63  }
0x84: {  	_ =	swait.ge [sflag:s19], $0x6800  }
0x85: {  	[sflag:s19] =	ssyncset.done $0x0  }
0x86: {  	s10 =	sadd.s32 $0x680, s9;
	[sflag:s19] =	ssyncadd.s32 $0xFFFF9800  }
0x87: {  	[tilespmem:s17], [sflag:$0x1] =	stream.indirect.gather [hbm4b:s1+s16], $0x80, s10, s16, $0xb8;
	[tilespmem:$0x1D400] =	vst v63  }
0x88: {  	s10 =	sadd.s32 $0x6E8, s9  }
0x89: {  	[tilespmem:s18], [sflag:$0x1] =	stream.indirect.gather [hbm4b:s1+s16], $0x80, s10, s16, $0xb8;
	[tilespmem:$0x1D400] =	vst v63  }
0x8a: {  	_ =	swait.ge [sflag:s25], $0x6800  }
0x8b: {  	[sflag:s25] =	ssyncset.done $0x0  }
0x8c: {  	s10 =	sadd.s32 $0xFFFFF300, s7;
	[sflag:s25] =	ssyncadd.s32 $0xFFFF9800  }
0x8d: {  	[hbm4b:s10+s3] =	stream.linear.scatter [tilespmem:s24], [sflag:$0x7], $0x6800, $0x38;
	[tilespmem:$0x1D400] =	vst v63  }
0x8e: {  	_ =	swait.ge [sflag:s29], $0x6800  }
0x8f: {  	[sflag:s29] =	ssyncset.done $0x0  }
0x90: {  	s10 =	sadd.s32 $0x750, s9;
	[sflag:s29] =	ssyncadd.s32 $0xFFFF9800  }
0x91: {  	[tilespmem:s20], [sflag:$0x2] =	stream.indirect.gather [hbm4b:s1+s16], $0x80, s10, s16, $0xb8;
	[tilespmem:$0x1D400] =	vst v63  }
.Ltmp0:
0x92: {  	s9 =	sadd.s32 $0x7B8, s9;
	(pc) =	sbr.rel @p0 .LBB2_2-.Ltmp0, $4  }
0x93: {  	[tilespmem:s22], [sflag:$0x2] =	stream.indirect.gather [hbm4b:s1+s16], $0x80, s9, s16, $0xb8;
	[tilespmem:$0x1D400] =	vst v63  }
0x94: {  	_ =	swait.ge [sflag:s23], $0x6800  }
0x95: {  	[sflag:s23] =	ssyncset.done $0x0  }
0x96: {  	s7 =	sadd.s32 $0x3400, s7;
	[sflag:s23] =	ssyncadd.s32 $0xFFFF9800  }
0x97: {  	[hbm4b:s14+s3] =	stream.linear.scatter [tilespmem:s30], [sflag:$0x8], $0x6800, $0x38;
	[tilespmem:$0x1D400] =	vst v63  }
0x98: {  	_ =	swait.ge [sflag:s31], $0x6800  }
0x99: {  	[sflag:s31] =	ssyncset.done $0x0  }
0x9a: {  	s6 =	simm.s32 $0x3260;
	[sflag:s31] =	ssyncadd.s32 $0xFFFF9800  }
0x9b: {  	[tilespmem:s24], [sflag:$0x3] =	stream.indirect.gather [hbm4b:s1+s16], $0x80, s6, s16, $0xb8;
	[tilespmem:$0x1D400] =	vst v63  }
0x9c: {  	s14 =	simm.s32 $0x32C8  }
0x9d: {  	[tilespmem:s26], [sflag:$0x3] =	stream.indirect.gather [hbm4b:s1+s16], $0x80, s14, s16, $0xb8;
	[tilespmem:$0x1D400] =	vst v63  }
0x9e: {  	_ =	swait.ge [sflag:s28], $0x6800  }
0x9f: {  	[sflag:s28] =	ssyncset.done $0x0  }
0xa0: {  	s7 =	rddreg [dreg:$0x8];
	[sflag:s28] =	ssyncadd.s32 $0xFFFF9800  }
0xa1: {  	[hbm4b:s7+s3] =	stream.linear.scatter [tilespmem:s17], [sflag:$0x5], $0x6800, $0x38;
	[tilespmem:$0x1D400] =	vst v63  }
0xa2: {  	_ =	swait.ge [sflag:s21], $0x6800  }
0xa3: {  	[sflag:s21] =	ssyncset.done $0x0  }
0xa4: {  	s9 =	simm.s32 $0x3330;
	[sflag:s21] =	ssyncadd.s32 $0xFFFF9800  }
0xa5: {  	[tilespmem:s30], [sflag:$0x4] =	stream.indirect.gather [hbm4b:s1+s16], $0x80, s9, s16, $0xb8;
	[tilespmem:$0x1D400] =	vst v63  }
0xa6: {  	s10 =	simm.s32 $0x3398  }
0xa7: {  	[tilespmem:s2], [sflag:$0x4] =	stream.indirect.gather [hbm4b:s1+s16], $0x80, s10, s16, $0xb8;
	[tilespmem:$0x1D400] =	vst v63  }
0xa8: {  	_ =	swait.ge [sflag:s0], $0x6800  }
0xa9: {  	[sflag:s0] =	ssyncset.done $0x0  }
0xaa: {  	s14 =	rddreg [dreg:$0x9];
	[sflag:s0] =	ssyncadd.s32 $0xFFFF9800  }
0xab: {  	[hbm4b:s14+s3] =	stream.linear.scatter [tilespmem:s20], [sflag:$0x6], $0x6800, $0x38;
	[tilespmem:$0x1D400] =	vst v63  }
0xac: {  	_ =	swait.ge [sflag:s25], $0x6800  }
0xad: {  	[sflag:s25] =	ssyncset.done $0x0  }
0xae: {  	[sflag:s25] =	ssyncadd.s32 $0xFFFF9800  }
0xaf: {  	[hbm4b:s11+s3] =	stream.linear.scatter [tilespmem:s24], [sflag:$0x7], $0x6800, $0x38;
	[tilespmem:$0x1D400] =	vst v63  }
0xb0: {  	_ =	swait.ge [sflag:s23], $0x6800  }
0xb1: {  	[sflag:s23] =	ssyncset.done $0x0  }
0xb2: {  	[sflag:s23] =	ssyncadd.s32 $0xFFFF9800  }
0xb3: {  	[hbm4b:s12+s3] =	stream.linear.scatter [tilespmem:s30], [sflag:$0x8], $0x6800, $0x38;
	[tilespmem:$0x1D400] =	vst v63  }
0xb4: {  	_ =	swait.ge [sflag:s19], $0x6800  }
0xb5: {  	[sflag:s19] =	ssyncset.done $0x0  }
0xb6: {  	[sflag:s19] =	ssyncadd.s32 $0xFFFF9800  }
0xb7: {  	_ =	swait.ge [sflag:s29], $0x6800  }
0xb8: {  	[sflag:s29] =	ssyncset.done $0x0  }
0xb9: {  	s4 =	sadd.s32 $0x1, s4;
	[sflag:s29] =	ssyncadd.s32 $0xFFFF9800  }
0xba: {  	p0 =	sne.s32 s4, s13;
	_ =	swait.ge [sflag:s31], $0x6800  }
.Ltmp1:
0xbb: {  	[sflag:s31] =	ssyncset.done $0x0;
	(pc) =	sbr.rel @p0 .LBB2_1-.Ltmp1, $4  }
0xbc: {  	[sflag:s31] =	ssyncadd.s32 $0xFFFF9800  }
0xbd: {  	_ =	swait.ge [sflag:s21], $0x6800  }
0xbe: {  	[sflag:s21] =	ssyncset.done $0x0  }
0xbf: {  	[sflag:s21] =	ssyncadd.s32 $0xFFFF9800  }
0xc0: {  	_ =	sfence.sel $0x180000  }
0xc1: {  	[bflag:$0x0] =	sbarrier.arrive $0xFFFF  }
0xc2: {  	_ =	strace $0x90000047  }
0xc3: {  	s0 =	stileid.u32;
	[bflag:$0x2] =	sbarrier.arrive $0xFFFF  }
0xc4: {  	p0 =	sne.s32 s0, $0x0;
	s0 =	rddreg [dreg:$0x3]  }
0xc5: {  	s0 =	sadd.s32 @!p0 $0x100000, s0  }
0xc6: {  	[sflag:s0] =	ssyncadd.tile.s32 @!p0 $0x1;
	_ =	shalt  }
.Lfunc_end2:
_tile_overlayer_lowered:
.L_overlay_start_2:
0xc7: {  	(tag) =	ssettag $0x2  }
0xc8: {  	s0 =	rddreg [dreg:$0x0];
	s2 =	stileid.u32  }
0xc9: {  	s1 =	rddreg [dreg:$0x1];
	p0 =	sne.s32 s2, $0x0  }
0xca: {  	s3 =	rddreg [dreg:$0x2];
	[bflag:$0x3] =	sbarrier.arrive $0xFFFF;
	s2 =	simm.s32 @!p0 $0x1C09  }
0xcb: {  	[timem:s3], [sflag:s2] =	dma.local @!p0 [hbm:s0], s1  }
0xcc: {  	s0 =	simm.s32 @!p0 $0x9  }
0xcd: {  	_ =	swait.ge @!p0 [sflag:s0], s1  }
0xce: {  	s1 =	ssub.s32 @!p0 $0x0, s1;
	[sflag:s0] =	ssyncset.done @!p0 $0x0  }
0xcf: {  	[sflag:s0] =	ssyncadd.s32 @!p0 s1  }
0xd0: {  	[bflag:$0x3] =	sbarrier.arrive $0xFFFF  }
0xd1: {  	_ =	shalt  }

</sc_bundles>
